<compile_context>
chip_gen: v7x
topology: tpu7x:2x2x1
jax: 0.10.2.dev20260603
libtpu: 0.0.44.dev20260713+nightly
codegen_flags: <defaults>
</compile_context>

<pallas_src>
import functools

import jax
import jax.numpy as jnp
from jax import lax
from jax.experimental import pallas as pl
from jax.experimental.pallas import tpu as pltpu
from jax.experimental.pallas import tpu_sc as plsc

Z = 128
NUM_IN = Z * (Z + 1) // 2
NT = (NUM_IN + Z - 1) // Z
XW = NT * Z
HB = 4


def _softplus16(v):
    t = jnp.exp(-jnp.abs(v))
    u = t / (t + 2.0)
    u2 = u * u
    p = 1.0 + u2 * (
        1.0 / 3.0 + u2 * (1.0 / 5.0 + u2 * (1.0 / 7.0 + u2 * (1.0 / 9.0 + u2 * (1.0 / 11.0))))
    )
    return jnp.maximum(v, 0.0) + 2.0 * u * p


def kernel(x):
    B = x.shape[0]
    info = plsc.get_sparse_core_info()
    NC, NS = info.num_cores, info.num_subcores
    NW = NC * NS
    rows_per_w = B // NW
    n_hb = rows_per_w // HB
    mesh = plsc.VectorSubcoreMesh(core_axis_name="c", subcore_axis_name="s")

    @functools.partial(
        pl.kernel,
        out_type=jax.ShapeDtypeStruct((B * Z * Z,), jnp.float32),
        mesh=mesh,
        compiler_params=pltpu.CompilerParams(
            needs_layout_passes=False, skip_device_barrier=True
        ),
        scratch_types=[
            pltpu.VMEM((2 * HB, XW), jnp.float32),
            pltpu.VMEM((2 * Z * Z,), jnp.float32),
            pltpu.SemaphoreType.DMA,
            pltpu.SemaphoreType.DMA,
        ],
    )
    def run(x_hbm, out_hbm, x_v, l_v, in_sem, out_sem):
        wid = lax.axis_index("s") * NC + lax.axis_index("c")
        base = wid * rows_per_w
        zero16 = jnp.zeros((16,), jnp.float32)
        iota16 = lax.iota(jnp.int32, 16)

        @plsc.parallel_loop(0, 2 * Z * Z // 16, unroll=4)
        def _zero(i):
            l_v[pl.ds(i * 16, 16)] = zero16

        def start_in(hb):
            row0 = base + hb * HB
            half = jnp.bitwise_and(hb, 1) * HB

            @plsc.parallel_loop(0, NT, unroll=5)
            def t_body(t):
                col = pl.multiple_of(t * Z, Z)
                pltpu.make_async_copy(
                    x_hbm.at[pl.ds(row0, HB), pl.ds(col, Z)],
                    x_v.at[pl.ds(pl.multiple_of(half, HB), HB), pl.ds(col, Z)],
                    in_sem,
                ).start()

        def wait_in():
            for _ in range(HB):
                pltpu.make_async_copy(
                    out_hbm.at[pl.ds(0, XW)], x_v.at[0], in_sem
                ).wait()

        def out_start(m, lbase):
            pltpu.make_async_copy(
                l_v.at[pl.ds(pl.multiple_of(lbase, Z * Z), Z * Z)],
                out_hbm.at[pl.ds((base + m) * Z * Z, Z * Z)],
                out_sem,
            ).start()

        def out_wait_one():
            pltpu.make_async_copy(
                out_hbm.at[pl.ds(0, Z * Z)], l_v.at[pl.ds(0, Z * Z)], out_sem
            ).wait()

        start_in(0)
        start_in(1)

        def rebuild(row, lbase):
            g_vec = jnp.zeros((16,), jnp.int32) + row
            for j in range(Z // 16 - 1):
                @plsc.parallel_loop(16 * (j + 1), Z, unroll=4)
                def _c(r):
                    off = (r * (r + 1)) // 2
                    l_v[pl.ds(lbase + r * Z + j * 16, 16)] = plsc.load_gather(
                        x_v, [g_vec, off + j * 16 + iota16]
                    )

            @plsc.parallel_loop(0, Z, unroll=4)
            def _b(r):
                k16 = jnp.bitwise_and(r, ~15)
                off = (r * (r + 1)) // 2
                vals = plsc.load_gather(x_v, [g_vec, off + k16 + iota16])
                rr = jnp.bitwise_and(r, 15)
                l_v[pl.ds(lbase + r * Z + k16, 16)] = jnp.where(
                    iota16 < rr, vals, zero16
                )

            @plsc.parallel_loop(0, Z // 16, unroll=2)
            def _d(k8):
                r_vec = iota16 + k8 * 16
                srcv = lax.shift_right_logical(r_vec * (r_vec + 3), 1)
                vals = plsc.load_gather(x_v, [g_vec, srcv])
                sp = _softplus16(vals)
                plsc.store_scatter(l_v, [r_vec * (Z + 1) + lbase], sp)

        def mstep(m, _):
            hb = lax.shift_right_logical(m, 2)
            g = jnp.bitwise_and(m, HB - 1)

            @pl.when(g == 0)
            def _():
                wait_in()

            @pl.when(m >= 2)
            def _():
                out_wait_one()

            row = jnp.bitwise_and(hb, 1) * HB + g
            lbase = jnp.bitwise_and(m, 1) * (Z * Z)
            rebuild(row, lbase)
            out_start(m, lbase)

            @pl.when(jnp.logical_and(g == HB - 1, hb + 2 < n_hb))
            def _():
                start_in(hb + 2)

            return 0

        lax.fori_loop(0, rows_per_w, mstep, 0)

        out_wait_one()
        out_wait_one()

    out = run(x)
    return out.reshape(B, Z, Z)

# --- scband reference (transcript-rebuilt; emitter-appended) ---
"""Pipeline reference for scband-cholesky-l-8598524527241 (READ-ONLY COPY).

The authoritative reference and input builder live on the scoring server;
editing this copy changes nothing except your own understanding.
"""

import jax, jax.numpy as jnp
import numpy as np

Z_DIM = 128
IS_DIAG = False
BATCH = 4096


def _num_inputs():
    if IS_DIAG:
        return Z_DIM
    return Z_DIM * (Z_DIM + 1) // 2


def setup_inputs(seed: int = 0) -> dict:
    key = jax.random.key(seed)
    x = jax.random.normal(key, (BATCH, _num_inputs()), dtype=jnp.float32)
    return {"x": x}


def reference(x):
    # Reconstruct index map exactly as torch.tril_indices / arange-repeat
    if IS_DIAG:
        rows = np.arange(Z_DIM)
        cols = np.arange(Z_DIM)
    else:
        rows, cols = np.tril_indices(Z_DIM)  # row-major order, matches torch.tril_indices
    rows = jnp.asarray(rows)
    cols = jnp.asarray(cols)

    B = x.shape[0]
    L = jnp.zeros((B, Z_DIM, Z_DIM), dtype=x.dtype)
    # scatter-overwrite: L[:, idxs[0], idxs[1]] = x
    L = L.at[:, rows, cols].set(x)
    # softplus on the diagonal, then diagonal_scatter
    diag = jnp.diagonal(L, axis1=-2, axis2=-1)
    new_diag = jax.nn.softplus(diag)
    di = jnp.arange(Z_DIM)
    L = L.at[:, di, di].set(new_diag)
    return L


if False:  # reference __main__ guard neutralized (emitter)
    out = reference(**setup_inputs())
    print(out.shape, out.dtype)

if __name__ == "__main__":
    import jax
    _d = setup_inputs()
    print(jax.jit(kernel)(*tuple(_d.values())))

</pallas_src>

<mosaic_0001>
#map = affine_map<(d0, d1) -> (0, 0)>
#map1 = affine_map<(d0, d1) -> (0)>
module attributes {stable_mosaic.version = 14 : i64} {
  func.func @run(%arg0: i32, %arg1: i32, %arg2: memref<4096x8256xf32, #tpu.memory_space<hbm>>, %arg3: memref<67108864xf32, #tpu.memory_space<hbm>>, %arg4: memref<8x8320xf32, #tpu.memory_space<vmem>>, %arg5: memref<32768xf32, #tpu.memory_space<vmem>>, %arg6: memref<!tpu.dma_semaphore, #tpu.memory_space<semaphore_mem>>, %arg7: memref<!tpu.dma_semaphore, #tpu.memory_space<semaphore_mem>>) attributes {dimension_semantics = [#tpu.dimension_semantics<core_parallel>, #tpu.dimension_semantics<subcore_parallel>], iteration_bounds = array<i64: 2, 16>, scalar_prefetch = 0 : i64, scratch_operands = 4 : i64, tpu.core_type = #tpu.core_type<sc_vector_subcore>, window_params = [{transform_indices = #map}, {transform_indices = #map1}]} {
    %mul3A = arith.constant 2 : i32
    %mul3A_0 = arith.muli %arg1, %mul3A : i32
    %add3A = arith.addi %mul3A_0, %arg0 : i32
    %mul3A_1 = arith.constant 128 : i32
    %mul3A_2 = arith.muli %add3A, %mul3A_1 : i32
    %broadcast_in_dim3A = arith.constant 0.000000e+00 : f32
    %broadcast_in_dim3A_3 = vector.broadcast %broadcast_in_dim3A : f32 to vector<16xf32>
    %iota3A = tpu.iota {dimensions = array<i32: 0>} : vector<16xi32>
    %parallel_loop3A = arith.constant 0 : i32
    %parallel_loop3A_4 = arith.constant 2048 : i32
    %parallel_loop3A_5 = arith.constant 1 : i32
    scf.for %parallel_loop3A_46 = %parallel_loop3A to %parallel_loop3A_4 step %parallel_loop3A_5  : i32 {
      %parallel_loop3A_47 = arith.constant 16 : i32
      %parallel_loop3A_48 = arith.muli %parallel_loop3A_46, %parallel_loop3A_47 : i32
      %parallel_loop3A_49 = arith.index_cast %parallel_loop3A_48 : i32 to index
      %parallel_loop3A_50 = tpu.vector_load %arg5[%parallel_loop3A_49] {strides = array<i32>} : memref<32768xf32, #tpu.memory_space<vmem>>, vector<16xf32>,
      tpu.vector_store %arg5[%parallel_loop3A_49], %broadcast_in_dim3A_3 {strides = array<i32>} : memref<32768xf32, #tpu.memory_space<vmem>>, vector<16xf32>,
    } {sc.loop_unroll_factor = 4 : i64, sc.parallel_access}
    %add3A_6 = arith.constant 0 : i32
    %add3A_7 = arith.addi %mul3A_2, %add3A_6 : i32
    %and3A = arith.constant 0 : i32
    %and3A_8 = arith.constant 1 : i32
    %and3A_9 = arith.andi %and3A, %and3A_8 : i32
    %mul3A_10 = arith.constant 4 : i32
    %mul3A_11 = arith.muli %and3A_9, %mul3A_10 : i32
    %parallel_loop3A_12 = arith.constant 0 : i32
    %parallel_loop3A_13 = arith.constant 65 : i32
    %parallel_loop3A_14 = arith.constant 1 : i32
    scf.for %parallel_loop3A_46 = %parallel_loop3A_12 to %parallel_loop3A_13 step %parallel_loop3A_14  : i32 {
      %parallel_loop3A_47 = arith.constant 128 : i32
      %parallel_loop3A_48 = arith.muli %parallel_loop3A_46, %parallel_loop3A_47 : i32
      %parallel_loop3A_49 = tpu.assume_multiple %parallel_loop3A_48, 128 : i32
      %parallel_loop3A_50 = tpu.assume_multiple %mul3A_11, 4 : i32
      %parallel_loop3A_51 = tpu.memref_slice %arg4[%parallel_loop3A_50, %parallel_loop3A_49] : memref<8x8320xf32, #tpu.memory_space<vmem>> -> memref<4x128xf32, #tpu.memory_space<vmem>>
      %parallel_loop3A_52 = tpu.memref_slice %arg2[%add3A_7, %parallel_loop3A_49] : memref<4096x8256xf32, #tpu.memory_space<hbm>> -> memref<4x128xf32, #tpu.memory_space<hbm>>
      %parallel_loop3A_53 = tpu.memref_slice %arg4[%parallel_loop3A_50, %parallel_loop3A_49] : memref<8x8320xf32, #tpu.memory_space<vmem>> -> memref<4x128xf32, #tpu.memory_space<vmem>>
      %parallel_loop3A_54 = tpu.memref_slice %arg2[%add3A_7, %parallel_loop3A_49] : memref<4096x8256xf32, #tpu.memory_space<hbm>> -> memref<4x128xf32, #tpu.memory_space<hbm>>
      tpu.enqueue_dma source(%parallel_loop3A_54 : memref<4x128xf32, #tpu.memory_space<hbm>>) target(%parallel_loop3A_53 : memref<4x128xf32, #tpu.memory_space<vmem>>) target_semaphore(%arg6 : memref<!tpu.dma_semaphore, #tpu.memory_space<semaphore_mem>>)
    } {sc.loop_unroll_factor = 5 : i64, sc.parallel_access}
    %add3A_15 = arith.constant 4 : i32
    %add3A_16 = arith.addi %mul3A_2, %add3A_15 : i32
    %and3A_17 = arith.constant 1 : i32
    %and3A_18 = arith.constant 1 : i32
    %and3A_19 = arith.andi %and3A_17, %and3A_18 : i32
    %mul3A_20 = arith.constant 4 : i32
    %mul3A_21 = arith.muli %and3A_19, %mul3A_20 : i32
    %parallel_loop3A_22 = arith.constant 0 : i32
    %parallel_loop3A_23 = arith.constant 65 : i32
    %parallel_loop3A_24 = arith.constant 1 : i32
    scf.for %parallel_loop3A_46 = %parallel_loop3A_22 to %parallel_loop3A_23 step %parallel_loop3A_24  : i32 {
      %parallel_loop3A_47 = arith.constant 128 : i32
      %parallel_loop3A_48 = arith.muli %parallel_loop3A_46, %parallel_loop3A_47 : i32
      %parallel_loop3A_49 = tpu.assume_multiple %parallel_loop3A_48, 128 : i32
      %parallel_loop3A_50 = tpu.assume_multiple %mul3A_21, 4 : i32
      %parallel_loop3A_51 = tpu.memref_slice %arg4[%parallel_loop3A_50, %parallel_loop3A_49] : memref<8x8320xf32, #tpu.memory_space<vmem>> -> memref<4x128xf32, #tpu.memory_space<vmem>>
      %parallel_loop3A_52 = tpu.memref_slice %arg2[%add3A_16, %parallel_loop3A_49] : memref<4096x8256xf32, #tpu.memory_space<hbm>> -> memref<4x128xf32, #tpu.memory_space<hbm>>
      %parallel_loop3A_53 = tpu.memref_slice %arg4[%parallel_loop3A_50, %parallel_loop3A_49] : memref<8x8320xf32, #tpu.memory_space<vmem>> -> memref<4x128xf32, #tpu.memory_space<vmem>>
      %parallel_loop3A_54 = tpu.memref_slice %arg2[%add3A_16, %parallel_loop3A_49] : memref<4096x8256xf32, #tpu.memory_space<hbm>> -> memref<4x128xf32, #tpu.memory_space<hbm>>
      tpu.enqueue_dma source(%parallel_loop3A_54 : memref<4x128xf32, #tpu.memory_space<hbm>>) target(%parallel_loop3A_53 : memref<4x128xf32, #tpu.memory_space<vmem>>) target_semaphore(%arg6 : memref<!tpu.dma_semaphore, #tpu.memory_space<semaphore_mem>>)
    } {sc.loop_unroll_factor = 5 : i64, sc.parallel_access}
    %scan3A = arith.constant 0 : i32
    %scan3A_25 = arith.constant 0 : i32
    %scan3A_26 = arith.constant 128 : i32
    %scan3A_27 = arith.addi %scan3A_25, %scan3A_26 : i32
    %scan3A_28 = arith.constant 1 : i32
    %scan3A_29 = scf.for %scan3A_46 = %scan3A_25 to %scan3A_27 step %scan3A_28 iter_args(%scan3A_47 = %scan3A) -> (i32)  : i32 {
      %shift_right_logical3A = arith.constant 2 : i32
      %shift_right_logical3A_48 = arith.shrui %scan3A_46, %shift_right_logical3A : i32
      %and3A_49 = arith.constant 3 : i32
      %and3A_50 = arith.andi %scan3A_46, %and3A_49 : i32
      %eq3A = arith.constant 0 : i32
      %eq3A_51 = arith.cmpi eq, %and3A_50, %eq3A : i32
      %convert_element_type3A = arith.extui %eq3A_51 : i1 to i32
      %cond3A = arith.constant 0 : i32
      %cond3A_52 = arith.cmpi ne, %convert_element_type3A, %cond3A : i32
      scf.if %cond3A_52 {
        %dma_wait3A_115 = arith.constant 0 : i32
        %dma_wait3A_116 = arith.constant 0 : i32
        %dma_wait3A_117 = tpu.memref_slice %arg4[%dma_wait3A_115, %dma_wait3A_116] : memref<8x8320xf32, #tpu.memory_space<vmem>> -> memref<1x8320xf32, #tpu.memory_space<vmem>>
        %dma_wait3A_118 = tpu.memref_squeeze %dma_wait3A_117 : memref<1x8320xf32, #tpu.memory_space<vmem>> -> memref<8320xf32, #tpu.memory_space<vmem>>
        %dma_wait3A_119 = arith.constant 0 : i32
        %dma_wait3A_120 = tpu.memref_slice %arg3[%dma_wait3A_119] : memref<67108864xf32, #tpu.memory_space<hbm>> -> memref<8320xf32, #tpu.memory_space<hbm>>
        %dma_wait3A_121 = arith.constant 0 : i32
        %dma_wait3A_122 = tpu.memref_slice %arg4[%dma_wait3A_115, %dma_wait3A_121] : memref<8x8320xf32, #tpu.memory_space<vmem>> -> memref<1x8320xf32, #tpu.memory_space<vmem>>
        %dma_wait3A_123 = tpu.memref_squeeze %dma_wait3A_122 : memref<1x8320xf32, #tpu.memory_space<vmem>> -> memref<8320xf32, #tpu.memory_space<vmem>>
        %dma_wait3A_124 = arith.constant 0 : i32
        %dma_wait3A_125 = tpu.memref_slice %arg3[%dma_wait3A_124] : memref<67108864xf32, #tpu.memory_space<hbm>> -> memref<8320xf32, #tpu.memory_space<hbm>>
        tpu.wait_dma2 semaphore(%arg6 : memref<!tpu.dma_semaphore, #tpu.memory_space<semaphore_mem>>) src(%dma_wait3A_125 : memref<8320xf32, #tpu.memory_space<hbm>>) dst(%dma_wait3A_123 : memref<8320xf32, #tpu.memory_space<vmem>>)
        %dma_wait3A_126 = arith.constant 0 : i32
        %dma_wait3A_127 = arith.constant 0 : i32
        %dma_wait3A_128 = tpu.memref_slice %arg4[%dma_wait3A_126, %dma_wait3A_127] : memref<8x8320xf32, #tpu.memory_space<vmem>> -> memref<1x8320xf32, #tpu.memory_space<vmem>>
        %dma_wait3A_129 = tpu.memref_squeeze %dma_wait3A_128 : memref<1x8320xf32, #tpu.memory_space<vmem>> -> memref<8320xf32, #tpu.memory_space<vmem>>
        %dma_wait3A_130 = arith.constant 0 : i32
        %dma_wait3A_131 = tpu.memref_slice %arg3[%dma_wait3A_130] : memref<67108864xf32, #tpu.memory_space<hbm>> -> memref<8320xf32, #tpu.memory_space<hbm>>
        %dma_wait3A_132 = arith.constant 0 : i32
        %dma_wait3A_133 = tpu.memref_slice %arg4[%dma_wait3A_126, %dma_wait3A_132] : memref<8x8320xf32, #tpu.memory_space<vmem>> -> memref<1x8320xf32, #tpu.memory_space<vmem>>
        %dma_wait3A_134 = tpu.memref_squeeze %dma_wait3A_133 : memref<1x8320xf32, #tpu.memory_space<vmem>> -> memref<8320xf32, #tpu.memory_space<vmem>>
        %dma_wait3A_135 = arith.constant 0 : i32
        %dma_wait3A_136 = tpu.memref_slice %arg3[%dma_wait3A_135] : memref<67108864xf32, #tpu.memory_space<hbm>> -> memref<8320xf32, #tpu.memory_space<hbm>>
        tpu.wait_dma2 semaphore(%arg6 : memref<!tpu.dma_semaphore, #tpu.memory_space<semaphore_mem>>) src(%dma_wait3A_136 : memref<8320xf32, #tpu.memory_space<hbm>>) dst(%dma_wait3A_134 : memref<8320xf32, #tpu.memory_space<vmem>>)
        %dma_wait3A_137 = arith.constant 0 : i32
        %dma_wait3A_138 = arith.constant 0 : i32
        %dma_wait3A_139 = tpu.memref_slice %arg4[%dma_wait3A_137, %dma_wait3A_138] : memref<8x8320xf32, #tpu.memory_space<vmem>> -> memref<1x8320xf32, #tpu.memory_space<vmem>>
        %dma_wait3A_140 = tpu.memref_squeeze %dma_wait3A_139 : memref<1x8320xf32, #tpu.memory_space<vmem>> -> memref<8320xf32, #tpu.memory_space<vmem>>
        %dma_wait3A_141 = arith.constant 0 : i32
        %dma_wait3A_142 = tpu.memref_slice %arg3[%dma_wait3A_141] : memref<67108864xf32, #tpu.memory_space<hbm>> -> memref<8320xf32, #tpu.memory_space<hbm>>
        %dma_wait3A_143 = arith.constant 0 : i32
        %dma_wait3A_144 = tpu.memref_slice %arg4[%dma_wait3A_137, %dma_wait3A_143] : memref<8x8320xf32, #tpu.memory_space<vmem>> -> memref<1x8320xf32, #tpu.memory_space<vmem>>
        %dma_wait3A_145 = tpu.memref_squeeze %dma_wait3A_144 : memref<1x8320xf32, #tpu.memory_space<vmem>> -> memref<8320xf32, #tpu.memory_space<vmem>>
        %dma_wait3A_146 = arith.constant 0 : i32
        %dma_wait3A_147 = tpu.memref_slice %arg3[%dma_wait3A_146] : memref<67108864xf32, #tpu.memory_space<hbm>> -> memref<8320xf32, #tpu.memory_space<hbm>>
        tpu.wait_dma2 semaphore(%arg6 : memref<!tpu.dma_semaphore, #tpu.memory_space<semaphore_mem>>) src(%dma_wait3A_147 : memref<8320xf32, #tpu.memory_space<hbm>>) dst(%dma_wait3A_145 : memref<8320xf32, #tpu.memory_space<vmem>>)
        %dma_wait3A_148 = arith.constant 0 : i32
        %dma_wait3A_149 = arith.constant 0 : i32
        %dma_wait3A_150 = tpu.memref_slice %arg4[%dma_wait3A_148, %dma_wait3A_149] : memref<8x8320xf32, #tpu.memory_space<vmem>> -> memref<1x8320xf32, #tpu.memory_space<vmem>>
        %dma_wait3A_151 = tpu.memref_squeeze %dma_wait3A_150 : memref<1x8320xf32, #tpu.memory_space<vmem>> -> memref<8320xf32, #tpu.memory_space<vmem>>
        %dma_wait3A_152 = arith.constant 0 : i32
        %dma_wait3A_153 = tpu.memref_slice %arg3[%dma_wait3A_152] : memref<67108864xf32, #tpu.memory_space<hbm>> -> memref<8320xf32, #tpu.memory_space<hbm>>
        %dma_wait3A_154 = arith.constant 0 : i32
        %dma_wait3A_155 = tpu.memref_slice %arg4[%dma_wait3A_148, %dma_wait3A_154] : memref<8x8320xf32, #tpu.memory_space<vmem>> -> memref<1x8320xf32, #tpu.memory_space<vmem>>
        %dma_wait3A_156 = tpu.memref_squeeze %dma_wait3A_155 : memref<1x8320xf32, #tpu.memory_space<vmem>> -> memref<8320xf32, #tpu.memory_space<vmem>>
        %dma_wait3A_157 = arith.constant 0 : i32
        %dma_wait3A_158 = tpu.memref_slice %arg3[%dma_wait3A_157] : memref<67108864xf32, #tpu.memory_space<hbm>> -> memref<8320xf32, #tpu.memory_space<hbm>>
        tpu.wait_dma2 semaphore(%arg6 : memref<!tpu.dma_semaphore, #tpu.memory_space<semaphore_mem>>) src(%dma_wait3A_158 : memref<8320xf32, #tpu.memory_space<hbm>>) dst(%dma_wait3A_156 : memref<8320xf32, #tpu.memory_space<vmem>>)
      } else {
      }
      %ge3A = arith.constant 2 : i32
      %ge3A_53 = arith.cmpi sge, %scan3A_46, %ge3A : i32
      %convert_element_type3A_54 = arith.extui %ge3A_53 : i1 to i32
      %cond3A_55 = arith.constant 0 : i32
      %cond3A_56 = arith.cmpi ne, %convert_element_type3A_54, %cond3A_55 : i32
      scf.if %cond3A_56 {
        %dma_wait3A_115 = arith.constant 0 : i32
        %dma_wait3A_116 = tpu.memref_slice %arg5[%dma_wait3A_115] : memref<32768xf32, #tpu.memory_space<vmem>> -> memref<16384xf32, #tpu.memory_space<vmem>>
        %dma_wait3A_117 = arith.constant 0 : i32
        %dma_wait3A_118 = tpu.memref_slice %arg3[%dma_wait3A_117] : memref<67108864xf32, #tpu.memory_space<hbm>> -> memref<16384xf32, #tpu.memory_space<hbm>>
        %dma_wait3A_119 = arith.constant 0 : i32
        %dma_wait3A_120 = tpu.memref_slice %arg5[%dma_wait3A_119] : memref<32768xf32, #tpu.memory_space<vmem>> -> memref<16384xf32, #tpu.memory_space<vmem>>
        %dma_wait3A_121 = arith.constant 0 : i32
        %dma_wait3A_122 = tpu.memref_slice %arg3[%dma_wait3A_121] : memref<67108864xf32, #tpu.memory_space<hbm>> -> memref<16384xf32, #tpu.memory_space<hbm>>
        tpu.wait_dma2 semaphore(%arg7 : memref<!tpu.dma_semaphore, #tpu.memory_space<semaphore_mem>>) src(%dma_wait3A_122 : memref<16384xf32, #tpu.memory_space<hbm>>) dst(%dma_wait3A_120 : memref<16384xf32, #tpu.memory_space<vmem>>)
      } else {
      }
      %and3A_57 = arith.constant 1 : i32
      %and3A_58 = arith.andi %shift_right_logical3A_48, %and3A_57 : i32
      %mul3A_59 = arith.constant 4 : i32
      %mul3A_60 = arith.muli %and3A_58, %mul3A_59 : i32
      %add3A_61 = arith.addi %mul3A_60, %and3A_50 : i32
      %and3A_62 = arith.constant 1 : i32
      %and3A_63 = arith.andi %scan3A_46, %and3A_62 : i32
      %mul3A_64 = arith.constant 16384 : i32
      %mul3A_65 = arith.muli %and3A_63, %mul3A_64 : i32
      %broadcast_in_dim3A_66 = arith.constant 0 : i32
      %broadcast_in_dim3A_67 = vector.broadcast %broadcast_in_dim3A_66 : i32 to vector<16xi32>
      %add3A_68 = vector.broadcast %add3A_61 : i32 to vector<16xi32>
      %add3A_69 = arith.addi %broadcast_in_dim3A_67, %add3A_68 : vector<16xi32>
      %parallel_loop3A_70 = arith.constant 16 : i32
      %parallel_loop3A_71 = arith.constant 128 : i32
      %parallel_loop3A_72 = arith.constant 1 : i32
      scf.for %parallel_loop3A_115 = %parallel_loop3A_70 to %parallel_loop3A_71 step %parallel_loop3A_72  : i32 {
        %parallel_loop3A_116 = arith.constant 1 : i32
        %parallel_loop3A_117 = arith.addi %parallel_loop3A_115, %parallel_loop3A_116 : i32
        %parallel_loop3A_118 = arith.muli %parallel_loop3A_115, %parallel_loop3A_117 : i32
        %parallel_loop3A_119 = arith.constant 2 : i32
        %parallel_loop3A_120 = arith.divsi %parallel_loop3A_118, %parallel_loop3A_119 : i32
        %parallel_loop3A_121 = arith.constant 0 : i32
        %parallel_loop3A_122 = arith.cmpi sgt, %parallel_loop3A_118, %parallel_loop3A_121 : i32
        %parallel_loop3A_123 = arith.extui %parallel_loop3A_122 : i1 to i32
        %parallel_loop3A_124 = arith.constant 0 : i32
        %parallel_loop3A_125 = arith.cmpi slt, %parallel_loop3A_118, %parallel_loop3A_124 : i32
        %parallel_loop3A_126 = arith.extui %parallel_loop3A_125 : i1 to i32
        %parallel_loop3A_127 = arith.subi %parallel_loop3A_123, %parallel_loop3A_126 : i32
        %parallel_loop3A_128 = arith.constant 0 : i32
        %parallel_loop3A_129 = arith.cmpi sgt, %parallel_loop3A_119, %parallel_loop3A_128 : i32
        %parallel_loop3A_130 = arith.extui %parallel_loop3A_129 : i1 to i32
        %parallel_loop3A_131 = arith.constant 0 : i32
        %parallel_loop3A_132 = arith.cmpi slt, %parallel_loop3A_119, %parallel_loop3A_131 : i32
        %parallel_loop3A_133 = arith.extui %parallel_loop3A_132 : i1 to i32
        %parallel_loop3A_134 = arith.subi %parallel_loop3A_130, %parallel_loop3A_133 : i32
        %parallel_loop3A_135 = arith.cmpi ne, %parallel_loop3A_127, %parallel_loop3A_134 : i32
        %parallel_loop3A_136 = arith.remsi %parallel_loop3A_118, %parallel_loop3A_119 : i32
        %parallel_loop3A_137 = arith.constant 0 : i32
        %parallel_loop3A_138 = arith.cmpi ne, %parallel_loop3A_136, %parallel_loop3A_137 : i32
        %parallel_loop3A_139 = arith.andi %parallel_loop3A_135, %parallel_loop3A_138 : i1
        %parallel_loop3A_140 = arith.constant 1 : i32
        %parallel_loop3A_141 = arith.subi %parallel_loop3A_120, %parallel_loop3A_140 : i32
        %parallel_loop3A_142 = arith.select %parallel_loop3A_139, %parallel_loop3A_141, %parallel_loop3A_120 : i32
        %parallel_loop3A_143 = arith.constant 0 : i32
        %parallel_loop3A_144 = arith.addi %parallel_loop3A_142, %parallel_loop3A_143 : i32
        %parallel_loop3A_145 = vector.broadcast %parallel_loop3A_144 : i32 to vector<16xi32>
        %parallel_loop3A_146 = arith.addi %parallel_loop3A_145, %iota3A : vector<16xi32>
        %parallel_loop3A_147 = tpu.vector_load_idx %arg4[%add3A_69, %parallel_loop3A_146] : memref<8x8320xf32, #tpu.memory_space<vmem>>[vector<16xi32>, vector<16xi32>], vector<16xf32>,
        %parallel_loop3A_148 = arith.constant 128 : i32
        %parallel_loop3A_149 = arith.muli %parallel_loop3A_115, %parallel_loop3A_148 : i32
        %parallel_loop3A_150 = arith.addi %mul3A_65, %parallel_loop3A_149 : i32
        %parallel_loop3A_151 = arith.constant 0 : i32
        %parallel_loop3A_152 = arith.addi %parallel_loop3A_150, %parallel_loop3A_151 : i32
        %parallel_loop3A_153 = arith.index_cast %parallel_loop3A_152 : i32 to index
        %parallel_loop3A_154 = tpu.vector_load %arg5[%parallel_loop3A_153] {strides = array<i32>} : memref<32768xf32, #tpu.memory_space<vmem>>, vector<16xf32>,
        tpu.vector_store %arg5[%parallel_loop3A_153], %parallel_loop3A_147 {strides = array<i32>} : memref<32768xf32, #tpu.memory_space<vmem>>, vector<16xf32>,
      } {sc.loop_unroll_factor = 4 : i64, sc.parallel_access}
      %parallel_loop3A_73 = arith.constant 32 : i32
      %parallel_loop3A_74 = arith.constant 128 : i32
      %parallel_loop3A_75 = arith.constant 1 : i32
      scf.for %parallel_loop3A_115 = %parallel_loop3A_73 to %parallel_loop3A_74 step %parallel_loop3A_75  : i32 {
        %parallel_loop3A_116 = arith.constant 1 : i32
        %parallel_loop3A_117 = arith.addi %parallel_loop3A_115, %parallel_loop3A_116 : i32
        %parallel_loop3A_118 = arith.muli %parallel_loop3A_115, %parallel_loop3A_117 : i32
        %parallel_loop3A_119 = arith.constant 2 : i32
        %parallel_loop3A_120 = arith.divsi %parallel_loop3A_118, %parallel_loop3A_119 : i32
        %parallel_loop3A_121 = arith.constant 0 : i32
        %parallel_loop3A_122 = arith.cmpi sgt, %parallel_loop3A_118, %parallel_loop3A_121 : i32
        %parallel_loop3A_123 = arith.extui %parallel_loop3A_122 : i1 to i32
        %parallel_loop3A_124 = arith.constant 0 : i32
        %parallel_loop3A_125 = arith.cmpi slt, %parallel_loop3A_118, %parallel_loop3A_124 : i32
        %parallel_loop3A_126 = arith.extui %parallel_loop3A_125 : i1 to i32
        %parallel_loop3A_127 = arith.subi %parallel_loop3A_123, %parallel_loop3A_126 : i32
        %parallel_loop3A_128 = arith.constant 0 : i32
        %parallel_loop3A_129 = arith.cmpi sgt, %parallel_loop3A_119, %parallel_loop3A_128 : i32
        %parallel_loop3A_130 = arith.extui %parallel_loop3A_129 : i1 to i32
        %parallel_loop3A_131 = arith.constant 0 : i32
        %parallel_loop3A_132 = arith.cmpi slt, %parallel_loop3A_119, %parallel_loop3A_131 : i32
        %parallel_loop3A_133 = arith.extui %parallel_loop3A_132 : i1 to i32
        %parallel_loop3A_134 = arith.subi %parallel_loop3A_130, %parallel_loop3A_133 : i32
        %parallel_loop3A_135 = arith.cmpi ne, %parallel_loop3A_127, %parallel_loop3A_134 : i32
        %parallel_loop3A_136 = arith.remsi %parallel_loop3A_118, %parallel_loop3A_119 : i32
        %parallel_loop3A_137 = arith.constant 0 : i32
        %parallel_loop3A_138 = arith.cmpi ne, %parallel_loop3A_136, %parallel_loop3A_137 : i32
        %parallel_loop3A_139 = arith.andi %parallel_loop3A_135, %parallel_loop3A_138 : i1
        %parallel_loop3A_140 = arith.constant 1 : i32
        %parallel_loop3A_141 = arith.subi %parallel_loop3A_120, %parallel_loop3A_140 : i32
        %parallel_loop3A_142 = arith.select %parallel_loop3A_139, %parallel_loop3A_141, %parallel_loop3A_120 : i32
        %parallel_loop3A_143 = arith.constant 16 : i32
        %parallel_loop3A_144 = arith.addi %parallel_loop3A_142, %parallel_loop3A_143 : i32
        %parallel_loop3A_145 = vector.broadcast %parallel_loop3A_144 : i32 to vector<16xi32>
        %parallel_loop3A_146 = arith.addi %parallel_loop3A_145, %iota3A : vector<16xi32>
        %parallel_loop3A_147 = tpu.vector_load_idx %arg4[%add3A_69, %parallel_loop3A_146] : memref<8x8320xf32, #tpu.memory_space<vmem>>[vector<16xi32>, vector<16xi32>], vector<16xf32>,
        %parallel_loop3A_148 = arith.constant 128 : i32
        %parallel_loop3A_149 = arith.muli %parallel_loop3A_115, %parallel_loop3A_148 : i32
        %parallel_loop3A_150 = arith.addi %mul3A_65, %parallel_loop3A_149 : i32
        %parallel_loop3A_151 = arith.constant 16 : i32
        %parallel_loop3A_152 = arith.addi %parallel_loop3A_150, %parallel_loop3A_151 : i32
        %parallel_loop3A_153 = arith.index_cast %parallel_loop3A_152 : i32 to index
        %parallel_loop3A_154 = tpu.vector_load %arg5[%parallel_loop3A_153] {strides = array<i32>} : memref<32768xf32, #tpu.memory_space<vmem>>, vector<16xf32>,
        tpu.vector_store %arg5[%parallel_loop3A_153], %parallel_loop3A_147 {strides = array<i32>} : memref<32768xf32, #tpu.memory_space<vmem>>, vector<16xf32>,
      } {sc.loop_unroll_factor = 4 : i64, sc.parallel_access}
      %parallel_loop3A_76 = arith.constant 48 : i32
      %parallel_loop3A_77 = arith.constant 128 : i32
      %parallel_loop3A_78 = arith.constant 1 : i32
      scf.for %parallel_loop3A_115 = %parallel_loop3A_76 to %parallel_loop3A_77 step %parallel_loop3A_78  : i32 {
        %parallel_loop3A_116 = arith.constant 1 : i32
        %parallel_loop3A_117 = arith.addi %parallel_loop3A_115, %parallel_loop3A_116 : i32
        %parallel_loop3A_118 = arith.muli %parallel_loop3A_115, %parallel_loop3A_117 : i32
        %parallel_loop3A_119 = arith.constant 2 : i32
        %parallel_loop3A_120 = arith.divsi %parallel_loop3A_118, %parallel_loop3A_119 : i32
        %parallel_loop3A_121 = arith.constant 0 : i32
        %parallel_loop3A_122 = arith.cmpi sgt, %parallel_loop3A_118, %parallel_loop3A_121 : i32
        %parallel_loop3A_123 = arith.extui %parallel_loop3A_122 : i1 to i32
        %parallel_loop3A_124 = arith.constant 0 : i32
        %parallel_loop3A_125 = arith.cmpi slt, %parallel_loop3A_118, %parallel_loop3A_124 : i32
        %parallel_loop3A_126 = arith.extui %parallel_loop3A_125 : i1 to i32
        %parallel_loop3A_127 = arith.subi %parallel_loop3A_123, %parallel_loop3A_126 : i32
        %parallel_loop3A_128 = arith.constant 0 : i32
        %parallel_loop3A_129 = arith.cmpi sgt, %parallel_loop3A_119, %parallel_loop3A_128 : i32
        %parallel_loop3A_130 = arith.extui %parallel_loop3A_129 : i1 to i32
        %parallel_loop3A_131 = arith.constant 0 : i32
        %parallel_loop3A_132 = arith.cmpi slt, %parallel_loop3A_119, %parallel_loop3A_131 : i32
        %parallel_loop3A_133 = arith.extui %parallel_loop3A_132 : i1 to i32
        %parallel_loop3A_134 = arith.subi %parallel_loop3A_130, %parallel_loop3A_133 : i32
        %parallel_loop3A_135 = arith.cmpi ne, %parallel_loop3A_127, %parallel_loop3A_134 : i32
        %parallel_loop3A_136 = arith.remsi %parallel_loop3A_118, %parallel_loop3A_119 : i32
        %parallel_loop3A_137 = arith.constant 0 : i32
        %parallel_loop3A_138 = arith.cmpi ne, %parallel_loop3A_136, %parallel_loop3A_137 : i32
        %parallel_loop3A_139 = arith.andi %parallel_loop3A_135, %parallel_loop3A_138 : i1
        %parallel_loop3A_140 = arith.constant 1 : i32
        %parallel_loop3A_141 = arith.subi %parallel_loop3A_120, %parallel_loop3A_140 : i32
        %parallel_loop3A_142 = arith.select %parallel_loop3A_139, %parallel_loop3A_141, %parallel_loop3A_120 : i32
        %parallel_loop3A_143 = arith.constant 32 : i32
        %parallel_loop3A_144 = arith.addi %parallel_loop3A_142, %parallel_loop3A_143 : i32
        %parallel_loop3A_145 = vector.broadcast %parallel_loop3A_144 : i32 to vector<16xi32>
        %parallel_loop3A_146 = arith.addi %parallel_loop3A_145, %iota3A : vector<16xi32>
        %parallel_loop3A_147 = tpu.vector_load_idx %arg4[%add3A_69, %parallel_loop3A_146] : memref<8x8320xf32, #tpu.memory_space<vmem>>[vector<16xi32>, vector<16xi32>], vector<16xf32>,
        %parallel_loop3A_148 = arith.constant 128 : i32
        %parallel_loop3A_149 = arith.muli %parallel_loop3A_115, %parallel_loop3A_148 : i32
        %parallel_loop3A_150 = arith.addi %mul3A_65, %parallel_loop3A_149 : i32
        %parallel_loop3A_151 = arith.constant 32 : i32
        %parallel_loop3A_152 = arith.addi %parallel_loop3A_150, %parallel_loop3A_151 : i32
        %parallel_loop3A_153 = arith.index_cast %parallel_loop3A_152 : i32 to index
        %parallel_loop3A_154 = tpu.vector_load %arg5[%parallel_loop3A_153] {strides = array<i32>} : memref<32768xf32, #tpu.memory_space<vmem>>, vector<16xf32>,
        tpu.vector_store %arg5[%parallel_loop3A_153], %parallel_loop3A_147 {strides = array<i32>} : memref<32768xf32, #tpu.memory_space<vmem>>, vector<16xf32>,
      } {sc.loop_unroll_factor = 4 : i64, sc.parallel_access}
      %parallel_loop3A_79 = arith.constant 64 : i32
      %parallel_loop3A_80 = arith.constant 128 : i32
      %parallel_loop3A_81 = arith.constant 1 : i32
      scf.for %parallel_loop3A_115 = %parallel_loop3A_79 to %parallel_loop3A_80 step %parallel_loop3A_81  : i32 {
        %parallel_loop3A_116 = arith.constant 1 : i32
        %parallel_loop3A_117 = arith.addi %parallel_loop3A_115, %parallel_loop3A_116 : i32
        %parallel_loop3A_118 = arith.muli %parallel_loop3A_115, %parallel_loop3A_117 : i32
        %parallel_loop3A_119 = arith.constant 2 : i32
        %parallel_loop3A_120 = arith.divsi %parallel_loop3A_118, %parallel_loop3A_119 : i32
        %parallel_loop3A_121 = arith.constant 0 : i32
        %parallel_loop3A_122 = arith.cmpi sgt, %parallel_loop3A_118, %parallel_loop3A_121 : i32
        %parallel_loop3A_123 = arith.extui %parallel_loop3A_122 : i1 to i32
        %parallel_loop3A_124 = arith.constant 0 : i32
        %parallel_loop3A_125 = arith.cmpi slt, %parallel_loop3A_118, %parallel_loop3A_124 : i32
        %parallel_loop3A_126 = arith.extui %parallel_loop3A_125 : i1 to i32
        %parallel_loop3A_127 = arith.subi %parallel_loop3A_123, %parallel_loop3A_126 : i32
        %parallel_loop3A_128 = arith.constant 0 : i32
        %parallel_loop3A_129 = arith.cmpi sgt, %parallel_loop3A_119, %parallel_loop3A_128 : i32
        %parallel_loop3A_130 = arith.extui %parallel_loop3A_129 : i1 to i32
        %parallel_loop3A_131 = arith.constant 0 : i32
        %parallel_loop3A_132 = arith.cmpi slt, %parallel_loop3A_119, %parallel_loop3A_131 : i32
        %parallel_loop3A_133 = arith.extui %parallel_loop3A_132 : i1 to i32
        %parallel_loop3A_134 = arith.subi %parallel_loop3A_130, %parallel_loop3A_133 : i32
        %parallel_loop3A_135 = arith.cmpi ne, %parallel_loop3A_127, %parallel_loop3A_134 : i32
        %parallel_loop3A_136 = arith.remsi %parallel_loop3A_118, %parallel_loop3A_119 : i32
        %parallel_loop3A_137 = arith.constant 0 : i32
        %parallel_loop3A_138 = arith.cmpi ne, %parallel_loop3A_136, %parallel_loop3A_137 : i32
        %parallel_loop3A_139 = arith.andi %parallel_loop3A_135, %parallel_loop3A_138 : i1
        %parallel_loop3A_140 = arith.constant 1 : i32
        %parallel_loop3A_141 = arith.subi %parallel_loop3A_120, %parallel_loop3A_140 : i32
        %parallel_loop3A_142 = arith.select %parallel_loop3A_139, %parallel_loop3A_141, %parallel_loop3A_120 : i32
        %parallel_loop3A_143 = arith.constant 48 : i32
        %parallel_loop3A_144 = arith.addi %parallel_loop3A_142, %parallel_loop3A_143 : i32
        %parallel_loop3A_145 = vector.broadcast %parallel_loop3A_144 : i32 to vector<16xi32>
        %parallel_loop3A_146 = arith.addi %parallel_loop3A_145, %iota3A : vector<16xi32>
        %parallel_loop3A_147 = tpu.vector_load_idx %arg4[%add3A_69, %parallel_loop3A_146] : memref<8x8320xf32, #tpu.memory_space<vmem>>[vector<16xi32>, vector<16xi32>], vector<16xf32>,
        %parallel_loop3A_148 = arith.constant 128 : i32
        %parallel_loop3A_149 = arith.muli %parallel_loop3A_115, %parallel_loop3A_148 : i32
        %parallel_loop3A_150 = arith.addi %mul3A_65, %parallel_loop3A_149 : i32
        %parallel_loop3A_151 = arith.constant 48 : i32
        %parallel_loop3A_152 = arith.addi %parallel_loop3A_150, %parallel_loop3A_151 : i32
        %parallel_loop3A_153 = arith.index_cast %parallel_loop3A_152 : i32 to index
        %parallel_loop3A_154 = tpu.vector_load %arg5[%parallel_loop3A_153] {strides = array<i32>} : memref<32768xf32, #tpu.memory_space<vmem>>, vector<16xf32>,
        tpu.vector_store %arg5[%parallel_loop3A_153], %parallel_loop3A_147 {strides = array<i32>} : memref<32768xf32, #tpu.memory_space<vmem>>, vector<16xf32>,
      } {sc.loop_unroll_factor = 4 : i64, sc.parallel_access}
      %parallel_loop3A_82 = arith.constant 80 : i32
      %parallel_loop3A_83 = arith.constant 128 : i32
      %parallel_loop3A_84 = arith.constant 1 : i32
      scf.for %parallel_loop3A_115 = %parallel_loop3A_82 to %parallel_loop3A_83 step %parallel_loop3A_84  : i32 {
        %parallel_loop3A_116 = arith.constant 1 : i32
        %parallel_loop3A_117 = arith.addi %parallel_loop3A_115, %parallel_loop3A_116 : i32
        %parallel_loop3A_118 = arith.muli %parallel_loop3A_115, %parallel_loop3A_117 : i32
        %parallel_loop3A_119 = arith.constant 2 : i32
        %parallel_loop3A_120 = arith.divsi %parallel_loop3A_118, %parallel_loop3A_119 : i32
        %parallel_loop3A_121 = arith.constant 0 : i32
        %parallel_loop3A_122 = arith.cmpi sgt, %parallel_loop3A_118, %parallel_loop3A_121 : i32
        %parallel_loop3A_123 = arith.extui %parallel_loop3A_122 : i1 to i32
        %parallel_loop3A_124 = arith.constant 0 : i32
        %parallel_loop3A_125 = arith.cmpi slt, %parallel_loop3A_118, %parallel_loop3A_124 : i32
        %parallel_loop3A_126 = arith.extui %parallel_loop3A_125 : i1 to i32
        %parallel_loop3A_127 = arith.subi %parallel_loop3A_123, %parallel_loop3A_126 : i32
        %parallel_loop3A_128 = arith.constant 0 : i32
        %parallel_loop3A_129 = arith.cmpi sgt, %parallel_loop3A_119, %parallel_loop3A_128 : i32
        %parallel_loop3A_130 = arith.extui %parallel_loop3A_129 : i1 to i32
        %parallel_loop3A_131 = arith.constant 0 : i32
        %parallel_loop3A_132 = arith.cmpi slt, %parallel_loop3A_119, %parallel_loop3A_131 : i32
        %parallel_loop3A_133 = arith.extui %parallel_loop3A_132 : i1 to i32
        %parallel_loop3A_134 = arith.subi %parallel_loop3A_130, %parallel_loop3A_133 : i32
        %parallel_loop3A_135 = arith.cmpi ne, %parallel_loop3A_127, %parallel_loop3A_134 : i32
        %parallel_loop3A_136 = arith.remsi %parallel_loop3A_118, %parallel_loop3A_119 : i32
        %parallel_loop3A_137 = arith.constant 0 : i32
        %parallel_loop3A_138 = arith.cmpi ne, %parallel_loop3A_136, %parallel_loop3A_137 : i32
        %parallel_loop3A_139 = arith.andi %parallel_loop3A_135, %parallel_loop3A_138 : i1
        %parallel_loop3A_140 = arith.constant 1 : i32
        %parallel_loop3A_141 = arith.subi %parallel_loop3A_120, %parallel_loop3A_140 : i32
        %parallel_loop3A_142 = arith.select %parallel_loop3A_139, %parallel_loop3A_141, %parallel_loop3A_120 : i32
        %parallel_loop3A_143 = arith.constant 64 : i32
        %parallel_loop3A_144 = arith.addi %parallel_loop3A_142, %parallel_loop3A_143 : i32
        %parallel_loop3A_145 = vector.broadcast %parallel_loop3A_144 : i32 to vector<16xi32>
        %parallel_loop3A_146 = arith.addi %parallel_loop3A_145, %iota3A : vector<16xi32>
        %parallel_loop3A_147 = tpu.vector_load_idx %arg4[%add3A_69, %parallel_loop3A_146] : memref<8x8320xf32, #tpu.memory_space<vmem>>[vector<16xi32>, vector<16xi32>], vector<16xf32>,
        %parallel_loop3A_148 = arith.constant 128 : i32
        %parallel_loop3A_149 = arith.muli %parallel_loop3A_115, %parallel_loop3A_148 : i32
        %parallel_loop3A_150 = arith.addi %mul3A_65, %parallel_loop3A_149 : i32
        %parallel_loop3A_151 = arith.constant 64 : i32
        %parallel_loop3A_152 = arith.addi %parallel_loop3A_150, %parallel_loop3A_151 : i32
        %parallel_loop3A_153 = arith.index_cast %parallel_loop3A_152 : i32 to index
        %parallel_loop3A_154 = tpu.vector_load %arg5[%parallel_loop3A_153] {strides = array<i32>} : memref<32768xf32, #tpu.memory_space<vmem>>, vector<16xf32>,
        tpu.vector_store %arg5[%parallel_loop3A_153], %parallel_loop3A_147 {strides = array<i32>} : memref<32768xf32, #tpu.memory_space<vmem>>, vector<16xf32>,
      } {sc.loop_unroll_factor = 4 : i64, sc.parallel_access}
      %parallel_loop3A_85 = arith.constant 96 : i32
      %parallel_loop3A_86 = arith.constant 128 : i32
      %parallel_loop3A_87 = arith.constant 1 : i32
      scf.for %parallel_loop3A_115 = %parallel_loop3A_85 to %parallel_loop3A_86 step %parallel_loop3A_87  : i32 {
        %parallel_loop3A_116 = arith.constant 1 : i32
        %parallel_loop3A_117 = arith.addi %parallel_loop3A_115, %parallel_loop3A_116 : i32
        %parallel_loop3A_118 = arith.muli %parallel_loop3A_115, %parallel_loop3A_117 : i32
        %parallel_loop3A_119 = arith.constant 2 : i32
        %parallel_loop3A_120 = arith.divsi %parallel_loop3A_118, %parallel_loop3A_119 : i32
        %parallel_loop3A_121 = arith.constant 0 : i32
        %parallel_loop3A_122 = arith.cmpi sgt, %parallel_loop3A_118, %parallel_loop3A_121 : i32
        %parallel_loop3A_123 = arith.extui %parallel_loop3A_122 : i1 to i32
        %parallel_loop3A_124 = arith.constant 0 : i32
        %parallel_loop3A_125 = arith.cmpi slt, %parallel_loop3A_118, %parallel_loop3A_124 : i32
        %parallel_loop3A_126 = arith.extui %parallel_loop3A_125 : i1 to i32
        %parallel_loop3A_127 = arith.subi %parallel_loop3A_123, %parallel_loop3A_126 : i32
        %parallel_loop3A_128 = arith.constant 0 : i32
        %parallel_loop3A_129 = arith.cmpi sgt, %parallel_loop3A_119, %parallel_loop3A_128 : i32
        %parallel_loop3A_130 = arith.extui %parallel_loop3A_129 : i1 to i32
        %parallel_loop3A_131 = arith.constant 0 : i32
        %parallel_loop3A_132 = arith.cmpi slt, %parallel_loop3A_119, %parallel_loop3A_131 : i32
        %parallel_loop3A_133 = arith.extui %parallel_loop3A_132 : i1 to i32
        %parallel_loop3A_134 = arith.subi %parallel_loop3A_130, %parallel_loop3A_133 : i32
        %parallel_loop3A_135 = arith.cmpi ne, %parallel_loop3A_127, %parallel_loop3A_134 : i32
        %parallel_loop3A_136 = arith.remsi %parallel_loop3A_118, %parallel_loop3A_119 : i32
        %parallel_loop3A_137 = arith.constant 0 : i32
        %parallel_loop3A_138 = arith.cmpi ne, %parallel_loop3A_136, %parallel_loop3A_137 : i32
        %parallel_loop3A_139 = arith.andi %parallel_loop3A_135, %parallel_loop3A_138 : i1
        %parallel_loop3A_140 = arith.constant 1 : i32
        %parallel_loop3A_141 = arith.subi %parallel_loop3A_120, %parallel_loop3A_140 : i32
        %parallel_loop3A_142 = arith.select %parallel_loop3A_139, %parallel_loop3A_141, %parallel_loop3A_120 : i32
        %parallel_loop3A_143 = arith.constant 80 : i32
        %parallel_loop3A_144 = arith.addi %parallel_loop3A_142, %parallel_loop3A_143 : i32
        %parallel_loop3A_145 = vector.broadcast %parallel_loop3A_144 : i32 to vector<16xi32>
        %parallel_loop3A_146 = arith.addi %parallel_loop3A_145, %iota3A : vector<16xi32>
        %parallel_loop3A_147 = tpu.vector_load_idx %arg4[%add3A_69, %parallel_loop3A_146] : memref<8x8320xf32, #tpu.memory_space<vmem>>[vector<16xi32>, vector<16xi32>], vector<16xf32>,
        %parallel_loop3A_148 = arith.constant 128 : i32
        %parallel_loop3A_149 = arith.muli %parallel_loop3A_115, %parallel_loop3A_148 : i32
        %parallel_loop3A_150 = arith.addi %mul3A_65, %parallel_loop3A_149 : i32
        %parallel_loop3A_151 = arith.constant 80 : i32
        %parallel_loop3A_152 = arith.addi %parallel_loop3A_150, %parallel_loop3A_151 : i32
        %parallel_loop3A_153 = arith.index_cast %parallel_loop3A_152 : i32 to index
        %parallel_loop3A_154 = tpu.vector_load %arg5[%parallel_loop3A_153] {strides = array<i32>} : memref<32768xf32, #tpu.memory_space<vmem>>, vector<16xf32>,
        tpu.vector_store %arg5[%parallel_loop3A_153], %parallel_loop3A_147 {strides = array<i32>} : memref<32768xf32, #tpu.memory_space<vmem>>, vector<16xf32>,
      } {sc.loop_unroll_factor = 4 : i64, sc.parallel_access}
      %parallel_loop3A_88 = arith.constant 112 : i32
      %parallel_loop3A_89 = arith.constant 128 : i32
      %parallel_loop3A_90 = arith.constant 1 : i32
      scf.for %parallel_loop3A_115 = %parallel_loop3A_88 to %parallel_loop3A_89 step %parallel_loop3A_90  : i32 {
        %parallel_loop3A_116 = arith.constant 1 : i32
        %parallel_loop3A_117 = arith.addi %parallel_loop3A_115, %parallel_loop3A_116 : i32
        %parallel_loop3A_118 = arith.muli %parallel_loop3A_115, %parallel_loop3A_117 : i32
        %parallel_loop3A_119 = arith.constant 2 : i32
        %parallel_loop3A_120 = arith.divsi %parallel_loop3A_118, %parallel_loop3A_119 : i32
        %parallel_loop3A_121 = arith.constant 0 : i32
        %parallel_loop3A_122 = arith.cmpi sgt, %parallel_loop3A_118, %parallel_loop3A_121 : i32
        %parallel_loop3A_123 = arith.extui %parallel_loop3A_122 : i1 to i32
        %parallel_loop3A_124 = arith.constant 0 : i32
        %parallel_loop3A_125 = arith.cmpi slt, %parallel_loop3A_118, %parallel_loop3A_124 : i32
        %parallel_loop3A_126 = arith.extui %parallel_loop3A_125 : i1 to i32
        %parallel_loop3A_127 = arith.subi %parallel_loop3A_123, %parallel_loop3A_126 : i32
        %parallel_loop3A_128 = arith.constant 0 : i32
        %parallel_loop3A_129 = arith.cmpi sgt, %parallel_loop3A_119, %parallel_loop3A_128 : i32
        %parallel_loop3A_130 = arith.extui %parallel_loop3A_129 : i1 to i32
        %parallel_loop3A_131 = arith.constant 0 : i32
        %parallel_loop3A_132 = arith.cmpi slt, %parallel_loop3A_119, %parallel_loop3A_131 : i32
        %parallel_loop3A_133 = arith.extui %parallel_loop3A_132 : i1 to i32
        %parallel_loop3A_134 = arith.subi %parallel_loop3A_130, %parallel_loop3A_133 : i32
        %parallel_loop3A_135 = arith.cmpi ne, %parallel_loop3A_127, %parallel_loop3A_134 : i32
        %parallel_loop3A_136 = arith.remsi %parallel_loop3A_118, %parallel_loop3A_119 : i32
        %parallel_loop3A_137 = arith.constant 0 : i32
        %parallel_loop3A_138 = arith.cmpi ne, %parallel_loop3A_136, %parallel_loop3A_137 : i32
        %parallel_loop3A_139 = arith.andi %parallel_loop3A_135, %parallel_loop3A_138 : i1
        %parallel_loop3A_140 = arith.constant 1 : i32
        %parallel_loop3A_141 = arith.subi %parallel_loop3A_120, %parallel_loop3A_140 : i32
        %parallel_loop3A_142 = arith.select %parallel_loop3A_139, %parallel_loop3A_141, %parallel_loop3A_120 : i32
        %parallel_loop3A_143 = arith.constant 96 : i32
        %parallel_loop3A_144 = arith.addi %parallel_loop3A_142, %parallel_loop3A_143 : i32
        %parallel_loop3A_145 = vector.broadcast %parallel_loop3A_144 : i32 to vector<16xi32>
        %parallel_loop3A_146 = arith.addi %parallel_loop3A_145, %iota3A : vector<16xi32>
        %parallel_loop3A_147 = tpu.vector_load_idx %arg4[%add3A_69, %parallel_loop3A_146] : memref<8x8320xf32, #tpu.memory_space<vmem>>[vector<16xi32>, vector<16xi32>], vector<16xf32>,
        %parallel_loop3A_148 = arith.constant 128 : i32
        %parallel_loop3A_149 = arith.muli %parallel_loop3A_115, %parallel_loop3A_148 : i32
        %parallel_loop3A_150 = arith.addi %mul3A_65, %parallel_loop3A_149 : i32
        %parallel_loop3A_151 = arith.constant 96 : i32
        %parallel_loop3A_152 = arith.addi %parallel_loop3A_150, %parallel_loop3A_151 : i32
        %parallel_loop3A_153 = arith.index_cast %parallel_loop3A_152 : i32 to index
        %parallel_loop3A_154 = tpu.vector_load %arg5[%parallel_loop3A_153] {strides = array<i32>} : memref<32768xf32, #tpu.memory_space<vmem>>, vector<16xf32>,
        tpu.vector_store %arg5[%parallel_loop3A_153], %parallel_loop3A_147 {strides = array<i32>} : memref<32768xf32, #tpu.memory_space<vmem>>, vector<16xf32>,
      } {sc.loop_unroll_factor = 4 : i64, sc.parallel_access}
      %parallel_loop3A_91 = arith.constant 0 : i32
      %parallel_loop3A_92 = arith.constant 128 : i32
      %parallel_loop3A_93 = arith.constant 1 : i32
      scf.for %parallel_loop3A_115 = %parallel_loop3A_91 to %parallel_loop3A_92 step %parallel_loop3A_93  : i32 {
        %parallel_loop3A_116 = arith.constant -16 : i32
        %parallel_loop3A_117 = arith.andi %parallel_loop3A_115, %parallel_loop3A_116 : i32
        %parallel_loop3A_118 = arith.constant 1 : i32
        %parallel_loop3A_119 = arith.addi %parallel_loop3A_115, %parallel_loop3A_118 : i32
        %parallel_loop3A_120 = arith.muli %parallel_loop3A_115, %parallel_loop3A_119 : i32
        %parallel_loop3A_121 = arith.constant 2 : i32
        %parallel_loop3A_122 = arith.divsi %parallel_loop3A_120, %parallel_loop3A_121 : i32
        %parallel_loop3A_123 = arith.constant 0 : i32
        %parallel_loop3A_124 = arith.cmpi sgt, %parallel_loop3A_120, %parallel_loop3A_123 : i32
        %parallel_loop3A_125 = arith.extui %parallel_loop3A_124 : i1 to i32
        %parallel_loop3A_126 = arith.constant 0 : i32
        %parallel_loop3A_127 = arith.cmpi slt, %parallel_loop3A_120, %parallel_loop3A_126 : i32
        %parallel_loop3A_128 = arith.extui %parallel_loop3A_127 : i1 to i32
        %parallel_loop3A_129 = arith.subi %parallel_loop3A_125, %parallel_loop3A_128 : i32
        %parallel_loop3A_130 = arith.constant 0 : i32
        %parallel_loop3A_131 = arith.cmpi sgt, %parallel_loop3A_121, %parallel_loop3A_130 : i32
        %parallel_loop3A_132 = arith.extui %parallel_loop3A_131 : i1 to i32
        %parallel_loop3A_133 = arith.constant 0 : i32
        %parallel_loop3A_134 = arith.cmpi slt, %parallel_loop3A_121, %parallel_loop3A_133 : i32
        %parallel_loop3A_135 = arith.extui %parallel_loop3A_134 : i1 to i32
        %parallel_loop3A_136 = arith.subi %parallel_loop3A_132, %parallel_loop3A_135 : i32
        %parallel_loop3A_137 = arith.cmpi ne, %parallel_loop3A_129, %parallel_loop3A_136 : i32
        %parallel_loop3A_138 = arith.remsi %parallel_loop3A_120, %parallel_loop3A_121 : i32
        %parallel_loop3A_139 = arith.constant 0 : i32
        %parallel_loop3A_140 = arith.cmpi ne, %parallel_loop3A_138, %parallel_loop3A_139 : i32
        %parallel_loop3A_141 = arith.andi %parallel_loop3A_137, %parallel_loop3A_140 : i1
        %parallel_loop3A_142 = arith.constant 1 : i32
        %parallel_loop3A_143 = arith.subi %parallel_loop3A_122, %parallel_loop3A_142 : i32
        %parallel_loop3A_144 = arith.select %parallel_loop3A_141, %parallel_loop3A_143, %parallel_loop3A_122 : i32
        %parallel_loop3A_145 = arith.addi %parallel_loop3A_144, %parallel_loop3A_117 : i32
        %parallel_loop3A_146 = vector.broadcast %parallel_loop3A_145 : i32 to vector<16xi32>
        %parallel_loop3A_147 = arith.addi %parallel_loop3A_146, %iota3A : vector<16xi32>
        %parallel_loop3A_148 = tpu.vector_load_idx %arg4[%add3A_69, %parallel_loop3A_147] : memref<8x8320xf32, #tpu.memory_space<vmem>>[vector<16xi32>, vector<16xi32>], vector<16xf32>,
        %parallel_loop3A_149 = arith.constant 15 : i32
        %parallel_loop3A_150 = arith.andi %parallel_loop3A_115, %parallel_loop3A_149 : i32
        %parallel_loop3A_151 = vector.broadcast %parallel_loop3A_150 : i32 to vector<16xi32>
        %parallel_loop3A_152 = arith.cmpi slt, %iota3A, %parallel_loop3A_151 : vector<16xi32>
        %parallel_loop3A_153 = arith.select %parallel_loop3A_152, %parallel_loop3A_148, %broadcast_in_dim3A_3 : vector<16xi1>, vector<16xf32>
        %parallel_loop3A_154 = arith.constant 128 : i32
        %parallel_loop3A_155 = arith.muli %parallel_loop3A_115, %parallel_loop3A_154 : i32
        %parallel_loop3A_156 = arith.addi %mul3A_65, %parallel_loop3A_155 : i32
        %parallel_loop3A_157 = arith.addi %parallel_loop3A_156, %parallel_loop3A_117 : i32
        %parallel_loop3A_158 = arith.index_cast %parallel_loop3A_157 : i32 to index
        %parallel_loop3A_159 = tpu.vector_load %arg5[%parallel_loop3A_158] {strides = array<i32>} : memref<32768xf32, #tpu.memory_space<vmem>>, vector<16xf32>,
        tpu.vector_store %arg5[%parallel_loop3A_158], %parallel_loop3A_153 {strides = array<i32>} : memref<32768xf32, #tpu.memory_space<vmem>>, vector<16xf32>,
      } {sc.loop_unroll_factor = 4 : i64, sc.parallel_access}
      %parallel_loop3A_94 = arith.constant 0 : i32
      %parallel_loop3A_95 = arith.constant 8 : i32
      %parallel_loop3A_96 = arith.constant 1 : i32
      scf.for %parallel_loop3A_115 = %parallel_loop3A_94 to %parallel_loop3A_95 step %parallel_loop3A_96  : i32 {
        %parallel_loop3A_116 = arith.constant 16 : i32
        %parallel_loop3A_117 = arith.muli %parallel_loop3A_115, %parallel_loop3A_116 : i32
        %parallel_loop3A_118 = vector.broadcast %parallel_loop3A_117 : i32 to vector<16xi32>
        %parallel_loop3A_119 = arith.addi %iota3A, %parallel_loop3A_118 : vector<16xi32>
        %parallel_loop3A_120 = arith.constant 3 : i32
        %parallel_loop3A_121 = vector.broadcast %parallel_loop3A_120 : i32 to vector<16xi32>
        %parallel_loop3A_122 = arith.addi %parallel_loop3A_119, %parallel_loop3A_121 : vector<16xi32>
        %parallel_loop3A_123 = arith.muli %parallel_loop3A_119, %parallel_loop3A_122 : vector<16xi32>
        %parallel_loop3A_124 = arith.constant 1 : i32
        %parallel_loop3A_125 = vector.broadcast %parallel_loop3A_124 : i32 to vector<16xi32>
        %parallel_loop3A_126 = arith.shrui %parallel_loop3A_123, %parallel_loop3A_125 : vector<16xi32>
        %parallel_loop3A_127 = tpu.vector_load_idx %arg4[%add3A_69, %parallel_loop3A_126] : memref<8x8320xf32, #tpu.memory_space<vmem>>[vector<16xi32>, vector<16xi32>], vector<16xf32>,
        %parallel_loop3A_128 = math.absf %parallel_loop3A_127 : vector<16xf32>
        %parallel_loop3A_129 = arith.constant 0.000000e+00 : f32
        %parallel_loop3A_130 = vector.broadcast %parallel_loop3A_129 : f32 to vector<16xf32>
        %parallel_loop3A_131 = arith.subf %parallel_loop3A_130, %parallel_loop3A_128 : vector<16xf32>
        %parallel_loop3A_132 = math.exp %parallel_loop3A_131 : vector<16xf32>
        %parallel_loop3A_133 = arith.constant 2.000000e+00 : f32
        %parallel_loop3A_134 = vector.broadcast %parallel_loop3A_133 : f32 to vector<16xf32>
        %parallel_loop3A_135 = arith.addf %parallel_loop3A_132, %parallel_loop3A_134 : vector<16xf32>
        %parallel_loop3A_136 = arith.divf %parallel_loop3A_132, %parallel_loop3A_135 : vector<16xf32>
        %parallel_loop3A_137 = arith.mulf %parallel_loop3A_136, %parallel_loop3A_136 : vector<16xf32>
        %parallel_loop3A_138 = arith.constant 0.0909090936 : f32
        %parallel_loop3A_139 = vector.broadcast %parallel_loop3A_138 : f32 to vector<16xf32>
        %parallel_loop3A_140 = arith.mulf %parallel_loop3A_137, %parallel_loop3A_139 : vector<16xf32>
        %parallel_loop3A_141 = arith.constant 0.111111112 : f32
        %parallel_loop3A_142 = vector.broadcast %parallel_loop3A_141 : f32 to vector<16xf32>
        %parallel_loop3A_143 = arith.addf %parallel_loop3A_142, %parallel_loop3A_140 : vector<16xf32>
        %parallel_loop3A_144 = arith.mulf %parallel_loop3A_137, %parallel_loop3A_143 : vector<16xf32>
        %parallel_loop3A_145 = arith.constant 0.142857149 : f32
        %parallel_loop3A_146 = vector.broadcast %parallel_loop3A_145 : f32 to vector<16xf32>
        %parallel_loop3A_147 = arith.addf %parallel_loop3A_146, %parallel_loop3A_144 : vector<16xf32>
        %parallel_loop3A_148 = arith.mulf %parallel_loop3A_137, %parallel_loop3A_147 : vector<16xf32>
        %parallel_loop3A_149 = arith.constant 2.000000e-01 : f32
        %parallel_loop3A_150 = vector.broadcast %parallel_loop3A_149 : f32 to vector<16xf32>
        %parallel_loop3A_151 = arith.addf %parallel_loop3A_150, %parallel_loop3A_148 : vector<16xf32>
        %parallel_loop3A_152 = arith.mulf %parallel_loop3A_137, %parallel_loop3A_151 : vector<16xf32>
        %parallel_loop3A_153 = arith.constant 0.333333343 : f32
        %parallel_loop3A_154 = vector.broadcast %parallel_loop3A_153 : f32 to vector<16xf32>
        %parallel_loop3A_155 = arith.addf %parallel_loop3A_154, %parallel_loop3A_152 : vector<16xf32>
        %parallel_loop3A_156 = arith.mulf %parallel_loop3A_137, %parallel_loop3A_155 : vector<16xf32>
        %parallel_loop3A_157 = arith.constant 1.000000e+00 : f32
        %parallel_loop3A_158 = vector.broadcast %parallel_loop3A_157 : f32 to vector<16xf32>
        %parallel_loop3A_159 = arith.addf %parallel_loop3A_158, %parallel_loop3A_156 : vector<16xf32>
        %parallel_loop3A_160 = arith.constant 0.000000e+00 : f32
        %parallel_loop3A_161 = vector.broadcast %parallel_loop3A_160 : f32 to vector<16xf32>
        %parallel_loop3A_162 = arith.maximumf %parallel_loop3A_127, %parallel_loop3A_161 : vector<16xf32>
        %parallel_loop3A_163 = arith.constant 2.000000e+00 : f32
        %parallel_loop3A_164 = vector.broadcast %parallel_loop3A_163 : f32 to vector<16xf32>
        %parallel_loop3A_165 = arith.mulf %parallel_loop3A_164, %parallel_loop3A_136 : vector<16xf32>
        %parallel_loop3A_166 = arith.mulf %parallel_loop3A_165, %parallel_loop3A_159 : vector<16xf32>
        %parallel_loop3A_167 = arith.addf %parallel_loop3A_162, %parallel_loop3A_166 : vector<16xf32>
        %parallel_loop3A_168 = arith.constant 129 : i32
        %parallel_loop3A_169 = vector.broadcast %parallel_loop3A_168 : i32 to vector<16xi32>
        %parallel_loop3A_170 = arith.muli %parallel_loop3A_119, %parallel_loop3A_169 : vector<16xi32>
        %parallel_loop3A_171 = vector.broadcast %mul3A_65 : i32 to vector<16xi32>
        %parallel_loop3A_172 = arith.addi %parallel_loop3A_170, %parallel_loop3A_171 : vector<16xi32>
        tpu.vector_store_idx %arg5[%parallel_loop3A_172], %parallel_loop3A_167 : memref<32768xf32, #tpu.memory_space<vmem>>[vector<16xi32>], vector<16xf32>,
      } {sc.loop_unroll_factor = 2 : i64, sc.parallel_access}
      %multiple_of3A = tpu.assume_multiple %mul3A_65, 16384 : i32
      %add3A_97 = arith.addi %mul3A_2, %scan3A_46 : i32
      %mul3A_98 = arith.constant 128 : i32
      %mul3A_99 = arith.muli %add3A_97, %mul3A_98 : i32
      %mul3A_100 = arith.constant 128 : i32
      %mul3A_101 = arith.muli %mul3A_99, %mul3A_100 : i32
      %dma_start3A = tpu.memref_slice %arg5[%multiple_of3A] : memref<32768xf32, #tpu.memory_space<vmem>> -> memref<16384xf32, #tpu.memory_space<vmem>>
      %dma_start3A_102 = tpu.memref_slice %arg3[%mul3A_101] : memref<67108864xf32, #tpu.memory_space<hbm>> -> memref<16384xf32, #tpu.memory_space<hbm>>
      %dma_start3A_103 = tpu.memref_slice %arg3[%mul3A_101] : memref<67108864xf32, #tpu.memory_space<hbm>> -> memref<16384xf32, #tpu.memory_space<hbm>>
      %dma_start3A_104 = tpu.memref_slice %arg5[%multiple_of3A] : memref<32768xf32, #tpu.memory_space<vmem>> -> memref<16384xf32, #tpu.memory_space<vmem>>
      tpu.enqueue_dma source(%dma_start3A_104 : memref<16384xf32, #tpu.memory_space<vmem>>) target(%dma_start3A_103 : memref<16384xf32, #tpu.memory_space<hbm>>) target_semaphore(%arg7 : memref<!tpu.dma_semaphore, #tpu.memory_space<semaphore_mem>>)
      %eq3A_105 = arith.constant 3 : i32
      %eq3A_106 = arith.cmpi eq, %and3A_50, %eq3A_105 : i32
      %add3A_107 = arith.constant 2 : i32
      %add3A_108 = arith.addi %shift_right_logical3A_48, %add3A_107 : i32
      %lt3A = arith.constant 32 : i32
      %lt3A_109 = arith.cmpi slt, %add3A_108, %lt3A : i32
      %and3A_110 = arith.andi %eq3A_106, %lt3A_109 : i1
      %convert_element_type3A_111 = arith.extui %and3A_110 : i1 to i32
      %cond3A_112 = arith.constant 0 : i32
      %cond3A_113 = arith.cmpi ne, %convert_element_type3A_111, %cond3A_112 : i32
      scf.if %cond3A_113 {
        %add3A_115 = arith.constant 2 : i32
        %add3A_116 = arith.addi %shift_right_logical3A_48, %add3A_115 : i32
        %mul3A_117 = arith.constant 4 : i32
        %mul3A_118 = arith.muli %add3A_116, %mul3A_117 : i32
        %add3A_119 = arith.addi %mul3A_2, %mul3A_118 : i32
        %and3A_120 = arith.constant 1 : i32
        %and3A_121 = arith.andi %add3A_116, %and3A_120 : i32
        %mul3A_122 = arith.constant 4 : i32
        %mul3A_123 = arith.muli %and3A_121, %mul3A_122 : i32
        %parallel_loop3A_124 = arith.constant 0 : i32
        %parallel_loop3A_125 = arith.constant 65 : i32
        %parallel_loop3A_126 = arith.constant 1 : i32
        scf.for %parallel_loop3A_127 = %parallel_loop3A_124 to %parallel_loop3A_125 step %parallel_loop3A_126  : i32 {
          %parallel_loop3A_128 = arith.constant 128 : i32
          %parallel_loop3A_129 = arith.muli %parallel_loop3A_127, %parallel_loop3A_128 : i32
          %parallel_loop3A_130 = tpu.assume_multiple %parallel_loop3A_129, 128 : i32
          %parallel_loop3A_131 = tpu.assume_multiple %mul3A_123, 4 : i32
          %parallel_loop3A_132 = tpu.memref_slice %arg4[%parallel_loop3A_131, %parallel_loop3A_130] : memref<8x8320xf32, #tpu.memory_space<vmem>> -> memref<4x128xf32, #tpu.memory_space<vmem>>
          %parallel_loop3A_133 = tpu.memref_slice %arg2[%add3A_119, %parallel_loop3A_130] : memref<4096x8256xf32, #tpu.memory_space<hbm>> -> memref<4x128xf32, #tpu.memory_space<hbm>>
          %parallel_loop3A_134 = tpu.memref_slice %arg4[%parallel_loop3A_131, %parallel_loop3A_130] : memref<8x8320xf32, #tpu.memory_space<vmem>> -> memref<4x128xf32, #tpu.memory_space<vmem>>
          %parallel_loop3A_135 = tpu.memref_slice %arg2[%add3A_119, %parallel_loop3A_130] : memref<4096x8256xf32, #tpu.memory_space<hbm>> -> memref<4x128xf32, #tpu.memory_space<hbm>>
          tpu.enqueue_dma source(%parallel_loop3A_135 : memref<4x128xf32, #tpu.memory_space<hbm>>) target(%parallel_loop3A_134 : memref<4x128xf32, #tpu.memory_space<vmem>>) target_semaphore(%arg6 : memref<!tpu.dma_semaphore, #tpu.memory_space<semaphore_mem>>)
        } {sc.loop_unroll_factor = 5 : i64, sc.parallel_access}
      } else {
      }
      %scan3A_114 = arith.constant 0 : i32
      scf.yield %scan3A_114 : i32
    }
    %scan3A_30 = arith.constant 128 : i32
    %dma_wait3A = arith.constant 0 : i32
    %dma_wait3A_31 = tpu.memref_slice %arg5[%dma_wait3A] : memref<32768xf32, #tpu.memory_space<vmem>> -> memref<16384xf32, #tpu.memory_space<vmem>>
    %dma_wait3A_32 = arith.constant 0 : i32
    %dma_wait3A_33 = tpu.memref_slice %arg3[%dma_wait3A_32] : memref<67108864xf32, #tpu.memory_space<hbm>> -> memref<16384xf32, #tpu.memory_space<hbm>>
    %dma_wait3A_34 = arith.constant 0 : i32
    %dma_wait3A_35 = tpu.memref_slice %arg5[%dma_wait3A_34] : memref<32768xf32, #tpu.memory_space<vmem>> -> memref<16384xf32, #tpu.memory_space<vmem>>
    %dma_wait3A_36 = arith.constant 0 : i32
    %dma_wait3A_37 = tpu.memref_slice %arg3[%dma_wait3A_36] : memref<67108864xf32, #tpu.memory_space<hbm>> -> memref<16384xf32, #tpu.memory_space<hbm>>
    tpu.wait_dma2 semaphore(%arg7 : memref<!tpu.dma_semaphore, #tpu.memory_space<semaphore_mem>>) src(%dma_wait3A_37 : memref<16384xf32, #tpu.memory_space<hbm>>) dst(%dma_wait3A_35 : memref<16384xf32, #tpu.memory_space<vmem>>)
    %dma_wait3A_38 = arith.constant 0 : i32
    %dma_wait3A_39 = tpu.memref_slice %arg5[%dma_wait3A_38] : memref<32768xf32, #tpu.memory_space<vmem>> -> memref<16384xf32, #tpu.memory_space<vmem>>
    %dma_wait3A_40 = arith.constant 0 : i32
    %dma_wait3A_41 = tpu.memref_slice %arg3[%dma_wait3A_40] : memref<67108864xf32, #tpu.memory_space<hbm>> -> memref<16384xf32, #tpu.memory_space<hbm>>
    %dma_wait3A_42 = arith.constant 0 : i32
    %dma_wait3A_43 = tpu.memref_slice %arg5[%dma_wait3A_42] : memref<32768xf32, #tpu.memory_space<vmem>> -> memref<16384xf32, #tpu.memory_space<vmem>>
    %dma_wait3A_44 = arith.constant 0 : i32
    %dma_wait3A_45 = tpu.memref_slice %arg3[%dma_wait3A_44] : memref<67108864xf32, #tpu.memory_space<hbm>> -> memref<16384xf32, #tpu.memory_space<hbm>>
    tpu.wait_dma2 semaphore(%arg7 : memref<!tpu.dma_semaphore, #tpu.memory_space<semaphore_mem>>) src(%dma_wait3A_45 : memref<16384xf32, #tpu.memory_space<hbm>>) dst(%dma_wait3A_43 : memref<16384xf32, #tpu.memory_space<vmem>>)
    return
  }
}

</mosaic_0001>

<sc_bundles>
// kernel: kernel.3.cloned.1.call-start
scs
__scs_entry_jumppad:
0x0: {  	(pc) =	sbr.rel $0x88, $3  }
0x1: {  	(tag) =	ssettag $0x0;
	lr =	simm.s32 $0x1  }
0x2: {  	[smem:$0x3FA0] =	sst lr;
	_ =	strace $0xD0000000  }
0x3: {  	_ = 	snop  }
0x4: {  	_ = 	snop  }
0x5: {  	_ = 	snop  }
0x6: {  	_ = 	snop  }
0x7: {  	_ = 	snop  }
__scs_overlays_trampoline_lowered:
0x8: {  	[smem:$0x3FAF] =	sst s0  }
0x9: {  	[smem:$0x3FB0] =	sst s1  }
0xa: {  	[smem:$0x3FB1] =	sst s2  }
0xb: {  	[smem:$0x3FB2] =	sst s3  }
0xc: {  	[smem:$0x3FB3] =	sst s4  }
0xd: {  	[smem:$0x3FB4] =	sst s5  }
0xe: {  	[smem:$0x3FB5] =	sst s6  }
0xf: {  	[smem:$0x3FB6] =	sst s7  }
0x10: {  	[smem:$0x3FB7] =	sst s8  }
0x11: {  	[smem:$0x3FB8] =	sst s9;
	s0 =	simm.s32 @!p0 $0x0  }
0x12: {  	s1 =	sld [smem:$0x3F9E];
	s0 =	simm.s32 @p0 $0x1  }
0x13: {  	[smem:$0x3FB9] =	sst s0;
	s0 =	simm.s32 @!p1 $0x0  }
0x14: {  	s2 =	sld [smem:$0x3F9D];
	s0 =	simm.s32 @p1 $0x1  }
0x15: {  	[smem:$0x3FBA] =	sst s0;
	s0 =	simm.s32 @!p2 $0x0  }
0x16: {  	s3 =	sld [smem:$0x3FDB];
	s0 =	simm.s32 @p2 $0x1  }
0x17: {  	s4 =	simm.s32 $0x1BF5;
	[smem:$0x3FBC] =	sst s0  }
0x18: {  	s0 =	sld [smem:$0x3F9F];
	_ =	swait.ge [sflag:s4], $0x0  }
0x19: {  	s7 =	sld [smem:$0x3FA0]  }
0x1a: {  	s8 =	sadd.s32 $0xFFFFE003, lr  }
0x1b: {  	s9 =	sadd.s32 $0xFFFFFEF7, lr;
	s5 =	simm.s32 $0xFFFFFFFF;
	p2 =	slt.u32 s8, $0xFFFFF086  }
0x1c: {  	p1 =	slt.u32 s9, $0xF7A;
	s5 =	simm.s32 @!p2 $0x0  }
0x1d: {  	s5 =	simm.s32 @p1 $0x1;
	p0 =	seq.s32 s7, s2  }
0x1e: {  	s7 =	smul.u32 @!p0 $0xF7A, s2;
	p2 =	seq.s32 @!p0 s5, $0x0  }
0x1f: {  	s9 =	smul.u32 $0xF7A, s1;
	s8 =	simm.s32 @!p0 $0x1BF5;
	p2 =	por !p2, p0  }
0x20: {  	[sflag:s8] =	ssyncset.s32 @!p0 $0xFFFFF086;
	s6 =	sadd.s32 @!p0 s3, s7;
	s7 =	simm.s32 @!p0 $0x108  }
0x21: {  	s3 =	sadd.s32 s3, s9;
	s6 =	sadd.s32 @!p0 $0x88, s6;
	s7 =	simm.s32 @p2 $0x1082  }
0x22: {  	[simem:s7], [sflag:s8] =	dma.local @!p0 [hbm:s6], $0xF7A  }
0x23: {  	s9 =	sor.u32 $0xD0000000, s2;
	s6 =	simm.s32 $0x108;
	_ =	swait.ge @!p0 [sflag:s8], $0x0  }
0x24: {  	s3 =	sadd.s32 $0x88, s3;
	s6 =	simm.s32 @!p1 $0x1082;
	[sflag:s4] =	ssyncset.s32 $0xFFFFF086  }
0x25: {  	[simem:s6], [sflag:s4] =	dma.local [hbm:s3], $0xF7A  }
0x26: {  	[smem:$0x3FA0] =	sst s1;
	(tag) =	ssettag s2;
	_ =	strace s9  }
0x27: {  	s1 =	sld [smem:$0x3FB0]  }
0x28: {  	s2 =	sld [smem:$0x3FB1]  }
0x29: {  	s4 =	sld [smem:$0x3FB3]  }
0x2a: {  	p0 =	seq.s32 s5, $0x0;
	s5 =	sld [smem:$0x3FB4]  }
0x2b: {  	s6 =	sld [smem:$0x3FB5]  }
0x2c: {  	s7 =	sld [smem:$0x3FB6]  }
0x2d: {  	s3 =	simm.s32 $0x108;
	s8 =	sld [smem:$0x3FB7]  }
0x2e: {  	s3 =	simm.s32 @!p0 $0x1082;
	s9 =	sld [smem:$0x3FB8]  }
0x2f: {  	lr =	sadd.s32 s0, s3;
	s0 =	sld [smem:$0x3FAF]  }
0x30: {  	s3 =	sld [smem:$0x3FB2]  }
0x31: {  	[smem:$0x3FBB] =	sst s10  }
0x32: {  	s10 =	sld [smem:$0x3FB9];
	_ =	sdelay $0x3  }
0x33: {  	p0 =	seq.s32 s10, $0x1;
	s10 =	sld [smem:$0x3FBB];
	_ =	sdelay $0x3  }
0x34: {  	[smem:$0x3FBB] =	sst s10  }
0x35: {  	s10 =	sld [smem:$0x3FBA];
	_ =	sdelay $0x3  }
0x36: {  	p1 =	seq.s32 s10, $0x1;
	s10 =	sld [smem:$0x3FBB];
	_ =	sdelay $0x3  }
0x37: {  	[smem:$0x3FBB] =	sst s10  }
0x38: {  	s10 =	sld [smem:$0x3FBC]  }
0x39: {  	_ = 	snop;
	(pc) =	sbr.ind lr, $3  }
0x3a: {  	_ = 	snop  }
0x3b: {  	_ = 	snop  }
0x3c: {  	p2 =	seq.s32 s10, $0x1;
	s10 =	sld [smem:$0x3FBB]  }
0x3d: {  	_ =	shalt  }
0x3e: {  	_ =	shalt  }
0x3f: {  	_ =	shalt  }
0x40: {  	_ =	shalt  }
0x41: {  	_ =	shalt  }
0x42: {  	_ =	shalt  }
0x43: {  	_ =	shalt  }
0x44: {  	_ =	shalt  }
0x45: {  	_ =	shalt  }
0x46: {  	_ =	shalt  }
0x47: {  	_ =	shalt  }
0x48: {  	_ =	shalt  }
0x49: {  	_ =	shalt  }
0x4a: {  	_ =	shalt  }
0x4b: {  	_ =	shalt  }
0x4c: {  	_ =	shalt  }
0x4d: {  	_ =	shalt  }
0x4e: {  	_ =	shalt  }
0x4f: {  	_ =	shalt  }
0x50: {  	_ =	shalt  }
0x51: {  	_ =	shalt  }
0x52: {  	_ =	shalt  }
0x53: {  	_ =	shalt  }
0x54: {  	_ =	shalt  }
0x55: {  	_ =	shalt  }
0x56: {  	_ =	shalt  }
0x57: {  	_ =	shalt  }
0x58: {  	_ =	shalt  }
0x59: {  	_ =	shalt  }
0x5a: {  	_ =	shalt  }
0x5b: {  	_ =	shalt  }
0x5c: {  	_ =	shalt  }
0x5d: {  	_ =	shalt  }
0x5e: {  	_ =	shalt  }
0x5f: {  	_ =	shalt  }
0x60: {  	_ =	shalt  }
0x61: {  	_ =	shalt  }
0x62: {  	_ =	shalt  }
0x63: {  	_ =	shalt  }
0x64: {  	_ =	shalt  }
0x65: {  	_ =	shalt  }
0x66: {  	_ =	shalt  }
0x67: {  	_ =	shalt  }
0x68: {  	_ =	shalt  }
0x69: {  	_ =	shalt  }
0x6a: {  	_ =	shalt  }
0x6b: {  	_ =	shalt  }
0x6c: {  	_ =	shalt  }
0x6d: {  	_ =	shalt  }
0x6e: {  	_ =	shalt  }
0x6f: {  	_ =	shalt  }
0x70: {  	_ =	shalt  }
0x71: {  	_ =	shalt  }
0x72: {  	_ =	shalt  }
0x73: {  	_ =	shalt  }
0x74: {  	_ =	shalt  }
0x75: {  	_ =	shalt  }
0x76: {  	_ =	shalt  }
0x77: {  	_ =	shalt  }
0x78: {  	_ =	shalt  }
0x79: {  	_ =	shalt  }
0x7a: {  	_ =	shalt  }
0x7b: {  	_ =	shalt  }
0x7c: {  	_ =	shalt  }
0x7d: {  	_ =	shalt  }
0x7e: {  	_ =	shalt  }
0x7f: {  	_ =	shalt  }
0x80: {  	_ =	shalt  }
0x81: {  	_ =	shalt  }
0x82: {  	_ =	shalt  }
0x83: {  	_ =	shalt  }
0x84: {  	_ =	shalt  }
0x85: {  	_ =	shalt  }
0x86: {  	_ =	shalt  }
0x87: {  	_ =	shalt  }
.Lfunc_end0:
.L_simem_size_0:
called_computation_lowered:
.L_overlay_start_0:
0x88: {  	s2 =	sld [smem:$0x3FD9]  }
0x89: {  	s3 =	sld [smem:$0x3FFE];
	_ =	sdelay $0x1  }
0x8a: {  	s1 =	srdreg.scid  }
0x8b: {  	s0 =	sand.u32 $0x1, s1  }
0x8c: {  	s17 =	sshll.u32 s0, $0xA;
	s2 =	sadd.s32 s3, s2  }
0x8d: {  	s2 =	sadd.s32 s2, s17  }
0x8e: {  	[smem:$0x3FC7] =	sst s2  }
0x8f: {  	_ = 	snop  }
0x90: {  	s2 =	sld [smem:$0x3FD0];
	(tm) =	ssettm $0x1  }
0x91: {  	s18 =	sld [smem:$0x3FFB];
	_ =	sdelay $0x3  }
0x92: {  	_ =	strace s18  }
0x93: {  	s3 =	sld [smem:$0x3FFC];
	_ =	sdelay $0x3  }
0x94: {  	_ =	strace s3  }
0x95: {  	s3 =	sld [smem:$0x3FFD];
	_ =	sdelay $0x3  }
0x96: {  	_ =	strace s3  }
0x97: {  	_ =	strace $0x8FFFFFFF  }
0x98: {  	s19 =	sld [smem:$0x3FDB];
	_ =	sdelay $0x1  }
0x99: {  	s4 =	simm.s32 $_scs_section_size  }
0x9a: {  	s5 =	simm.s32 $_size__tile_overlayer_lowered;
	s6 =	simm.s32 $_tile_overlayer_lowered  }
0x9b: {  	s22 =	simm.s32 $0x1BFF;
	s21 =	sshll.u32 s6, $0x1;
	s3 =	sadd.s32 s4, s19  }
0x9c: {  	s7 =	simm.s32 $0x0;
	s20 =	sshll.u32 s5, $0x1;
	s5 =	sadd.s32 s21, s3  }
0x9d: {  	[timem:s7], [sflag:s22] =	dma.local [hbm:s5], s20  }
0x9e: {  	_ =	swait.ge [sflag:s22], s20  }
0x9f: {  	s4 =	ssub.s32 $0x0, s20;
	[sflag:s22] =	ssyncset.done $0x0  }
0xa0: {  	[sflag:s22] =	ssyncadd.s32 s4;
	_ =	sdelay $0x1  }
0xa1: {  	s23 =	simm.s32 $0x1B8B  }
0xa2: {  	_ =	swait.ge [sflag:s23], $0x1  }
0xa3: {  	[sflag:s23] =	ssyncset.done $0x0  }
0xa4: {  	s25 =	simm.s32 $0x1B8E;
	s24 =	sld [smem:$0x3FFE];
	[sflag:s23] =	ssyncadd.s32 $0xFFFFFFFF  }
0xa5: {  	s26 =	simm.s32 $execute0_lowered;
	[smem:$0x3FD2] =	sst s25  }
0xa6: {  	s5 =	sshll.u32 s26, $0x1;
	_ =	strace $0x80000046;
	[dreg:$0x1] =	wrdreg $0xFFFFFFFF  }
0xa7: {  	s28 =	simm.s32 $_size_execute0_lowered;
	s3 =	sadd.s32 s3, s5;
	[dreg:$0x0] =	wrdreg $0x0  }
0xa8: {  	s5 =	sshll.u32 s28, $0x1;
	[dreg:$0x2] =	wrdreg s3  }
0xa9: {  	[dreg:$0x3] =	wrdreg s5  }
0xaa: {  	[dreg:$0x4] =	wrdreg $0xC0  }
0xab: {  	_ =	task [dreg:s7], $0x5FFFF  }
0xac: {  	[dreg:$0x1] =	wrdreg $0xFFFFFFFF  }
0xad: {  	[dreg:$0x0] =	wrdreg $0x60  }
0xae: {  	[dreg:$0x2] =	wrdreg s24  }
0xaf: {  	[dreg:$0x3] =	wrdreg s2  }
0xb0: {  	[dreg:$0x4] =	wrdreg $0x9  }
0xb1: {  	_ =	task.clear_ibuf [dreg:s7], $0x5FFFF;
	_ =	strace $0x90000046  }
0xb2: {  	s29 =	simm.s32 $0x9;
	_ =	strace $0x80000048  }
0xb3: {  	_ =	swait.ge [sflag:s29], $0x1  }
0xb4: {  	[sflag:s29] =	ssyncadd.s32 $0xFFFFFFFF  }
0xb5: {  	_ =	strace $0x90000048  }
0xb6: {  	_ =	sfence  }
0xb7: {  	s30 =	sld [smem:$0x0];
	_ =	sdelay $0x2  }
0xb8: {  	s31 =	sshll.u32 s1, $0xD;
	s1 =	sshrl.u32 s1, $0x2  }
0xb9: {  	s3 =	sand.u32 $0x4000, s31;
	s1 =	sadd.s32 s1, s30  }
0xba: {  	s0 =	sor.u32 s3, s0;
	s1 =	sshll.u32 s1, $0x11  }
0xbb: {  	s0 =	sor.u32 s1, s0  }
0xbc: {  	s0 =	sadd.s32 $0x8F2B, s0  }
0xbd: {  	[sflag:s0] =	ssyncadd.remote.s32 $0x1  }
0xbe: {  	_ =	sfence.sel $0xFFFF  }
0xbf: {  	[dreg:$0x0] =	wrdreg $0xFFFFFFFF;
	(pc) =	sbr.abs _section_cstart, $3  }
0xc0: {  	[dreg:$0x1] =	wrdreg $0xFFFFFFFF  }
0xc1: {  	_ =	task.clear_ibuf [dreg:s7], $0x2FFFF;
	_ =	strace $0x9FFFFFFF  }
0xc2: {  	(tm) =	ssettm $0x7FFFFFFF  }
0xc3: {  	_ =	shalt  }
tec
execute0_lowered:
.L_overlay_start_1:
0x0: {  	(tag) =	ssettag $0x1  }
0x1: {  	s0 =	srdreg.scid  }
0x2: {  	s2 =	stileid.u32;
	s0 =	sand.u32 $0x1, s0  }
0x3: {  	s3 =	sshll.u32 s2, $0x8;
	s4 =	sshll.u32 s0, $0x7  }
0x4: {  	s1 =	rddreg [dreg:$0x0];
	s3 =	sor.u32 s4, s3  }
0x5: {  	s2 =	rddreg [dreg:$0x1];
	s0 =	ssub.s32 $0x2, s0;
	s5 =	sshrl.u32 s3, $0x3  }
0x6: {  	s4 =	simm.s32 $0x0;
	s6 =	sshrl.u32 s0, $0x1;
	s7 =	smul.u32 $0x2080, s5  }
.Ltmp0:
0x7: {  	s0 =	ssub.s32 s0, s6;
	s5 =	sadd.s32 $0x400, s1;
	(pc) =	sbr.rel .LBB2_1-.Ltmp0, $4  }
0x8: {  	[smem:$0x7FF] =	sst s4;
	s0 =	smax.u32 s0, $0x1;
	s30 =	sadd.s32 s7, s5  }
0x9: {  	_ =	strace $0x80000047;
	[dreg:$0x3] =	wrdreg s0;
	s31 =	sadd.s32 $0x200, s30  }
0xa: {  	v0 =	vlaneseq.u32;
	s10 =	simm.s32 $0x10400;
	s0 =	sadd.s32 $0x240, s30;
	[dreg:$0x4] =	wrdreg s31  }
0xb: {  	v1 =	vimm.f32 $0.0e+00;
	v2 =	vadd.s32 $0x3, v0;
	s9 =	sor.u32 $0x8, s3;
	s6 =	simm.s32 $0x0;
	[dreg:$0x5] =	wrdreg s0  }
.LBB2_65:
0xc: {  	s1 =	simm.s32 $0x2  }
0xd: {  	_ =	swait.ge [sflag:s1], $0x4000  }
0xe: {  	[sflag:s1] =	ssyncset.done $0x0  }
0xf: {  	[sflag:s1] =	ssyncadd.s32 $0xFFFFC000  }
0x10: {  	_ =	swait.ge [sflag:s1], $0x4000  }
0x11: {  	s6 =	rddreg [dreg:$0x6]  }
0x12: {  	s0 =	rddreg [dreg:$0x3];
	s6 =	sadd.s32 $0x1, s6  }
0x13: {  	p0 =	sne.s32 s6, s0  }
.Ltmp1:
0x14: {  	_ = 	snop;
	(pc) =	sbr.rel @!p0 .LBB2_66-.Ltmp1, $3  }
0x15: {  	_ =	sdelay $0x1  }
0x16: {  	[sflag:s1] =	ssyncset.done $0x0  }
0x17: {  	[sflag:s1] =	ssyncadd.s32 $0xFFFFC000  }
.LBB2_1:
0x18: {  	[dreg:$0x6] =	wrdreg s6;
	s0 =	simm.s32 $0x10420  }
0x19: {  	[tilespmem:s0+$0xFFFFFFE0] =	vst v1  }
0x1a: {  	[tilespmem:s0+$0x10] =	vst v1  }
0x1b: {  	s6 =	simm.s32 $0x0;
	s1 =	simm.s32 $0x1000;
	[tilespmem:s0+$0x0] =	vst v1  }
.LBB2_2:
0x1c: {  	s6 =	sadd.s32 $0x4, s6  }
0x1d: {  	[tilespmem:s0+$0xFFFFFFF0] =	vst v1;
	s0 =	sadd.s32 $0x40, s0;
	p0 =	slt.u32 s6, $0x7FC  }
.Ltmp2:
0x1e: {  	[tilespmem:s0+$0xFFFFFFE0] =	vst v1;
	(pc) =	sbr.rel @p0 .LBB2_2-.Ltmp2, $3  }
0x1f: {  	_ =	sdelay $0x1  }
0x20: {  	[tilespmem:s0+$0x10] =	vst v1  }
0x21: {  	[tilespmem:s0+$0x0] =	vst v1  }
0x22: {  	[tilespmem:s0+$0xFFFFFFF0] =	vst v1  }
0x23: {  	s14 =	rddreg [dreg:$0x4]  }
0x24: {  	s6 =	simm.s32 $0x0;
	s26 =	simm.s32 $0x400;
	s24 =	sadd.s32 $0xFFFFFE00, s14  }
0x25: {  	[tilespmem:s6], [sflag:$0x1] =	stream.linear.gather [hbm4b:s24+s4], $0x200, $0x38;
	[tilespmem:$0x18400] =	vst v63  }
0x26: {  	s29 =	simm.s32 $0x800;
	s31 =	simm.s32 $0xC00;
	s25 =	sadd.s32 $0xFFFFFE80, s14  }
0x27: {  	[tilespmem:s26], [sflag:$0x1] =	stream.linear.gather [hbm4b:s25+s4], $0x200, $0x38;
	[tilespmem:$0x18400] =	vst v63  }
0x28: {  	s11 =	simm.s32 $0x2400;
	s0 =	simm.s32 $0x1200;
	s28 =	sadd.s32 $0xFFFFFF00, s14  }
0x29: {  	[tilespmem:s29], [sflag:$0x1] =	stream.linear.gather [hbm4b:s28+s4], $0x200, $0x38;
	[tilespmem:$0x18400] =	vst v63  }
0x2a: {  	s30 =	sadd.s32 $0xFFFFFF80, s14;
	s13 =	sadd.s32 $0x280, s14;
	s6 =	simm.s32 $0x0  }
0x2b: {  	[tilespmem:s31], [sflag:$0x1] =	stream.linear.gather [hbm4b:s30+s4], $0x200, $0x38;
	[tilespmem:$0x18400] =	vst v63  }
.LBB2_4:
0x2c: {  	[tilespmem:s1], [sflag:$0x1] =	stream.linear.gather [hbm4b:s14+s4], $0x200, $0x38;
	[tilespmem:$0x18400] =	vst v63  }
0x2d: {  	s1 =	smov.u32 s11;
	s14 =	smov.u32 s13  }
0x2e: {  	s15 =	sadd.s32 $0xFFFFFE00, s13;
	s16 =	sadd.s32 $0xFFFFF000, s11;
	s6 =	sadd.s32 $0x5, s6  }
0x2f: {  	[tilespmem:s16], [sflag:$0x1] =	stream.linear.gather [hbm4b:s15+s4], $0x200, $0x38;
	[tilespmem:$0x18400] =	vst v63  }
0x30: {  	p0 =	slt.u32 s6, $0x3C;
	s15 =	sadd.s32 $0xFFFFFE80, s13;
	s16 =	sadd.s32 $0xFFFFF400, s11  }
0x31: {  	[tilespmem:s16], [sflag:$0x1] =	stream.linear.gather [hbm4b:s15+s4], $0x200, $0x38;
	[tilespmem:$0x18400] =	vst v63  }
.Ltmp3:
0x32: {  	s15 =	sadd.s32 $0xFFFFFF00, s13;
	s16 =	sadd.s32 $0xFFFFF800, s11;
	(pc) =	sbr.rel @p0 .LBB2_4-.Ltmp3, $4  }
0x33: {  	[tilespmem:s16], [sflag:$0x1] =	stream.linear.gather [hbm4b:s15+s4], $0x200, $0x38;
	[tilespmem:$0x18400] =	vst v63  }
0x34: {  	s15 =	sadd.s32 $0xFFFFFF80, s13;
	s16 =	sadd.s32 $0xFFFFFC00, s11  }
0x35: {  	[tilespmem:s16], [sflag:$0x1] =	stream.linear.gather [hbm4b:s15+s4], $0x200, $0x38;
	[tilespmem:$0x18400] =	vst v63  }
0x36: {  	s11 =	sadd.s32 $0x1400, s11;
	s13 =	sadd.s32 $0x280, s13  }
0x37: {  	[tilespmem:s1], [sflag:$0x1] =	stream.linear.gather [hbm4b:s14+s4], $0x200, $0x38;
	[tilespmem:$0x18400] =	vst v63  }
0x38: {  	s6 =	simm.s32 $0x200;
	s14 =	rddreg [dreg:$0x5]  }
0x39: {  	s13 =	simm.s32 $0x0;
	s26 =	simm.s32 $0x600;
	s24 =	sadd.s32 $0xFFFFFE00, s14  }
0x3a: {  	[tilespmem:s6], [sflag:$0x1] =	stream.linear.gather [hbm4b:s24+s13], $0x200, $0x38;
	[tilespmem:$0x18400] =	vst v63  }
0x3b: {  	s29 =	simm.s32 $0xA00;
	s31 =	simm.s32 $0xE00;
	s25 =	sadd.s32 $0xFFFFFE80, s14  }
0x3c: {  	[tilespmem:s26], [sflag:$0x1] =	stream.linear.gather [hbm4b:s25+s13], $0x200, $0x38;
	[tilespmem:$0x18400] =	vst v63  }
0x3d: {  	s1 =	simm.s32 $0x0;
	s11 =	simm.s32 $0x2600;
	s28 =	sadd.s32 $0xFFFFFF00, s14  }
0x3e: {  	[tilespmem:s29], [sflag:$0x1] =	stream.linear.gather [hbm4b:s28+s13], $0x200, $0x38;
	[tilespmem:$0x18400] =	vst v63  }
0x3f: {  	p0 =	por $0x0, $0x0;
	s30 =	sadd.s32 $0xFFFFFF80, s14;
	s6 =	sadd.s32 $0x280, s14  }
0x40: {  	[tilespmem:s31], [sflag:$0x1] =	stream.linear.gather [hbm4b:s30+s13], $0x200, $0x38;
	[tilespmem:$0x18400] =	vst v63  }
.LBB2_6:
0x41: {  	[tilespmem:s0], [sflag:$0x1] =	stream.linear.gather [hbm4b:s14+s13], $0x200, $0x38;
	[tilespmem:$0x18400] =	vst v63  }
0x42: {  	s14 =	smov.u32 s6;
	s0 =	smov.u32 s11  }
0x43: {  	s15 =	sadd.s32 $0xFFFFFE00, s6;
	s16 =	sadd.s32 $0xFFFFF000, s11;
	s1 =	sadd.s32 $0x5, s1  }
0x44: {  	[tilespmem:s16], [sflag:$0x1] =	stream.linear.gather [hbm4b:s15+s13], $0x200, $0x38;
	[tilespmem:$0x18400] =	vst v63  }
0x45: {  	p1 =	slt.u32 s1, $0x3C;
	s15 =	sadd.s32 $0xFFFFFE80, s6;
	s16 =	sadd.s32 $0xFFFFF400, s11  }
0x46: {  	[tilespmem:s16], [sflag:$0x1] =	stream.linear.gather [hbm4b:s15+s13], $0x200, $0x38;
	[tilespmem:$0x18400] =	vst v63  }
.Ltmp4:
0x47: {  	s15 =	sadd.s32 $0xFFFFFF00, s6;
	s16 =	sadd.s32 $0xFFFFF800, s11;
	(pc) =	sbr.rel @p1 .LBB2_6-.Ltmp4, $4  }
0x48: {  	[tilespmem:s16], [sflag:$0x1] =	stream.linear.gather [hbm4b:s15+s13], $0x200, $0x38;
	[tilespmem:$0x18400] =	vst v63  }
0x49: {  	s15 =	sadd.s32 $0xFFFFFF80, s6;
	s16 =	sadd.s32 $0xFFFFFC00, s11  }
0x4a: {  	[tilespmem:s16], [sflag:$0x1] =	stream.linear.gather [hbm4b:s15+s13], $0x200, $0x38;
	[tilespmem:$0x18400] =	vst v63  }
0x4b: {  	s6 =	sadd.s32 $0x280, s6;
	s11 =	sadd.s32 $0x1400, s11  }
.Ltmp5:
0x4c: {  	(pc) =	sbr.rel .LBB2_8-.Ltmp5, $3  }
0x4d: {  	_ =	sdelay $0x1  }
0x4e: {  	[tilespmem:s0], [sflag:$0x1] =	stream.linear.gather [hbm4b:s14+s13], $0x200, $0x38;
	[tilespmem:$0x18400] =	vst v63  }
0x4f: {  	s14 =	smov.u32 s13  }
.LBB2_64:
0x50: {  	s14 =	sadd.s32 $0x1, s14  }
0x51: {  	p1 =	sne.s32 s14, $0x80  }
.Ltmp6:
0x52: {  	_ = 	snop;
	(pc) =	sbr.rel @!p1 .LBB2_65-.Ltmp6, $2  }
0x53: {  	_ =	sdelay $0x2  }
0x54: {  	p0 =	por !p0, !p0;
	s13 =	sadd.s32 $0x80, s13  }
.LBB2_8:
0x55: {  	s0 =	sand.u32 $0x1FFFFFC, s14;
	s20 =	sand.u32 $0x3, s14  }
0x56: {  	s0 =	sadd.s32 s0, s9;
	p1 =	sne.s32 s20, $0x0  }
0x57: {  	s16 =	sand.u32 $0x200, s13;
	s0 =	sshrl.u32 s0, $0x3;
	s11 =	simm.s32 @!p1 $0x1  }
0x58: {  	s25 =	simm.s32 $0x10;
	s0 =	smul.u32 $0x10400, s0;
	_ =	swait.ge @!p1 [sflag:s11], $0x2080  }
0x59: {  	s26 =	simm.s32 $0x11;
	s21 =	simm.s32 $0x12;
	[sflag:s11] =	ssyncset.done @!p1 $0x0  }
0x5a: {  	s7 =	simm.s32 $0x13;
	s0 =	sor.u32 s16, s0;
	[sflag:s11] =	ssyncadd.s32 @!p1 $0xFFFFDF80  }
0x5b: {  	s1 =	sadd.s32 $0x1000, s0;
	s6 =	sshrl.u32 s0, $0x3;
	s23 =	sadd.s32 $0xC00, s0  }
0x5c: {  	s24 =	sadd.s32 $0x800, s0;
	_ =	swait.ge @!p1 [sflag:s11], $0x2080;
	s1 =	sshrl.u32 s1, $0x3  }
0x5d: {  	s17 =	sadd.s32 s6, s5;
	s6 =	sshrl.u32 s24, $0x3;
	s15 =	sadd.s32 s1, s5  }
0x5e: {  	s1 =	sshrl.u32 s23, $0x3;
	s19 =	sadd.s32 s6, s5;
	s6 =	smul.u32 s21, s26  }
0x5f: {  	s23 =	simm.s32 $0x14;
	s18 =	sadd.s32 s1, s5;
	s1 =	smul.u32 s25, s26  }
0x60: {  	s22 =	sand.u32 $0x7, s14;
	[sflag:s11] =	ssyncset.done @!p1 $0x0;
	s12 =	smul.u32 s23, s7  }
0x61: {  	v3 =	vmov s22;
	s23 =	smul.u32 s7, s21;
	s8 =	sshrl.u32 s6, $0x1;
	s1 =	sshrl.u32 s1, $0x1  }
0x62: {  	v3 =	vshll.u32 v3, $0x7;
	[sflag:s11] =	ssyncadd.s32 @!p1 $0xFFFFDF80;
	v6 =	vadd.s32 s8, v0;
	v4 =	vadd.s32 s1, v0  }
0x63: {  	v3 =	vbroadcast v3, $0x0;
	s0 =	sadd.s32 $0x400, s0;
	_ =	swait.ge @!p1 [sflag:s11], $0x2080;
	s24 =	sshrl.u32 s23, $0x1;
	v7 =	vand.u32 $0x7F, v6;
	v5 =	vshll.u32 v4, $0x3  }
0x64: {  	s25 =	simm.s32 $0x14;
	s26 =	simm.s32 $0x15;
	s6 =	sshrl.u32 s12, $0x1;
	v8 =	vadd.s32 s24, v0;
	v4 =	vand.u32 $0x7F, v4;
	v5 =	vand.u32 $0x7FFFFC00, v5  }
0x65: {  	s0 =	sshrl.u32 s0, $0x3;
	[sflag:s11] =	ssyncset.done @!p1 $0x0;
	s7 =	smul.u32 s25, s26;
	v4 =	vor.u32 v5, v4;
	v5 =	vshll.u32 v6, $0x3;
	v6 =	vadd.s32 s6, v0  }
0x66: {  	s21 =	sadd.s32 s0, s5;
	[sflag:s11] =	ssyncadd.s32 @!p1 $0xFFFFDF80;
	s8 =	simm.s32 $0x16;
	v10 =	vshll.u32 v8, $0x3;
	v8 =	vand.u32 $0x7F, v8;
	v9 =	vshll.u32 v6, $0x3  }
0x67: {  	s12 =	simm.s32 $0x17;
	_ =	swait.ge @!p1 [sflag:s11], $0x2080;
	s0 =	sshrl.u32 s7, $0x1;
	v10 =	vand.u32 $0x7FFFFC00, v10;
	v6 =	vand.u32 $0x7F, v6;
	v9 =	vand.u32 $0x7FFFFC00, v9  }
0x68: {  	s24 =	simm.s32 $0x18;
	s7 =	smul.u32 s12, s8;
	[sflag:s11] =	ssyncset.done @!p1 $0x0;
	v8 =	vor.u32 v10, v8;
	v6 =	vor.u32 v9, v6  }
0x69: {  	[sflag:s11] =	ssyncadd.s32 @!p1 $0xFFFFDF80;
	p1 =	slt.u32 s14, $0x2;
	s6 =	smul.u32 s8, s26;
	v5 =	vand.u32 $0x7FFFFC00, v5;
	v9 =	vadd.s32 s0, v0;
	v6 =	vor.u32 v3, v6  }
0x6a: {  	s26 =	smul.u32 s24, s12;
	s24 =	simm.s32 @!p1 $0x2;
	v4 =	vor.u32 v3, v4;
	v5 =	vor.u32 v5, v7;
	v7 =	vshll.u32 v9, $0x3  }
0x6b: {  	v8 =	vor.u32 v3, v8;
	_ =	swait.ge @!p1 [sflag:s24], $0x4000;
	s25 =	sshrl.u32 s6, $0x1;
	v9 =	vand.u32 $0x7F, v9;
	v7 =	vand.u32 $0x7FFFFC00, v7  }
0x6c: {  	[sflag:s24] =	ssyncset.done @!p1 $0x0;
	v10 =	vadd.s32 s25, v0;
	v5 =	vor.u32 v3, v5;
	s0 =	sshrl.u32 s7, $0x1;
	v7 =	vor.u32 v7, v9  }
0x6d: {  	s22 =	simm.s32 $0x1;
	s8 =	sshrl.u32 s26, $0x1;
	[sflag:s24] =	ssyncadd.s32 @!p1 $0xFFFFC000;
	v11 =	vand.u32 $0x7F, v10;
	v14 =	vor.u32 v3, v7;
	v7 =	vadd.s32 s0, v0  }
0x6e: {  	s28 =	simm.s32 $0x1C;
	s31 =	sshll.u32 s14, $0xE;
	s22 =	simm.s32 @!p0 $0x0;
	v9 =	vshll.u32 v10, $0x3;
	v10 =	vadd.s32 s8, v0;
	v13 =	vld.idx.msk [tilespmem:v6+s4+$0x0], $0xffff;
	v6 =	vshll.u32 v7, $0x3  }
0x6f: {  	s1 =	simm.s32 $0x18;
	s11 =	sshll.u32 s22, $0xE;
	s12 =	simm.s32 $0x19;
	v15 =	vld.idx.msk [tilespmem:v4+s4+$0x0], $0xffff;
	v12 =	vshll.u32 v10, $0x3;
	v4 =	vand.u32 $0x7F, v7;
	v6 =	vand.u32 $0x7FFFFC00, v6  }
0x70: {  	s23 =	sor.u32 $0x10400, s11;
	s22 =	smul.u32 s1, s12;
	s24 =	simm.s32 $0x1A;
	v10 =	vand.u32 $0x7F, v10;
	v12 =	vand.u32 $0x7FFFFC00, v12;
	v4 =	vor.u32 v6, v4  }
0x71: {  	s26 =	sor.u32 $0x135D0, s11;
	s7 =	simm.s32 $0x1B;
	s6 =	smul.u32 s24, s12;
	v7 =	vor.u32 v12, v10;
	v6 =	vor.u32 v3, v4;
	v4 =	vld.idx.msk [tilespmem:v8+s4+$0x0], $0xffff  }
0x72: {  	s25 =	sor.u32 $0x13DE0, s11;
	s29 =	sshrl.u32 s22, $0x1;
	s30 =	smul.u32 s28, s7;
	v9 =	vand.u32 $0x7FFFFC00, v9;
	v7 =	vor.u32 v3, v7;
	v8 =	vld.idx.msk [tilespmem:v5+s4+$0x0], $0xffff  }
0x73: {  	s28 =	sor.u32 $0x12DC0, s11;
	s6 =	sshrl.u32 s6, $0x1;
	s8 =	smul.u32 s7, s24;
	v9 =	vor.u32 v9, v11;
	v10 =	vadd.s32 s29, v0  }
0x74: {  	s12 =	sshrl.u32 s30, $0x1;
	s30 =	sor.u32 $0x11DA0, s11;
	s0 =	sor.u32 $0x10D80, s11;
	v16 =	vadd.s32 s6, v0;
	v9 =	vor.u32 v3, v9;
	v11 =	vshll.u32 v10, $0x3  }
0x75: {  	s24 =	sand.u32 $0x4000, s31;
	s31 =	sor.u32 $0x11590, s11;
	v12 =	vadd.s32 s12, v0;
	v11 =	vand.u32 $0x7FFFFC00, v11;
	[tilespmem:s0+$0xFFFFFE80] =	vst v15;
	v5 =	vand.u32 $0x7F, v10  }
0x76: {  	s22 =	sor.u32 $0x10400, s24;
	s6 =	sshrl.u32 s8, $0x1;
	s29 =	sor.u32 $0x125B0, s11;
	v10 =	vand.u32 $0x7F, v16;
	[tilespmem:s0+$0x0] =	vst v13;
	v13 =	vor.u32 v11, v5;
	v11 =	vshll.u32 v16, $0x3;
	v5 =	vld.idx.msk [tilespmem:v14+s4+$0x0], $0xffff  }
.LBB2_9:
0x77: {  	s11 =	sadd.s32 $0x5, s1;
	v14 =	vor.u32 v3, v13;
	v13 =	vadd.s32 s6, v0;
	v15 =	vshll.u32 v12, $0x3;
	v16 =	vld.idx.msk [tilespmem:v7+s4+$0x0], $0xffff;
	[tilespmem:s0+$0xFFFFFF00] =	vst v8;
	s6 =	smov.u32 s1;
	s1 =	sadd.s32 $0x4, s1  }
0x78: {  	v8 =	vand.u32 $0x7F, v12;
	s7 =	smul.u32 s1, s11;
	s8 =	sadd.s32 $0x6, s6;
	v7 =	vshll.u32 v13, $0x3;
	v12 =	vand.u32 $0x7FFFFC00, v15;
	[tilespmem:s0+$0xFFFFFF80] =	vst v4;
	v4 =	vld.idx.msk [tilespmem:v6+s4+$0x0], $0xffff  }
0x79: {  	v6 =	vand.u32 $0x7F, v13;
	s12 =	sadd.s32 $0x7, s6;
	p1 =	slt.u32 s1, $0x7C;
	s11 =	smul.u32 s8, s11;
	v7 =	vand.u32 $0x7FFFFC00, v7;
	v12 =	vor.u32 v12, v8;
	v8 =	vld.idx.msk [tilespmem:v9+s4+$0x0], $0xffff  }
.Ltmp7:
0x7a: {  	s6 =	sadd.s32 $0x8, s6;
	v9 =	vand.u32 $0x7FFFFC00, v11;
	s7 =	sshrl.u32 s7, $0x1;
	v6 =	vor.u32 v7, v6;
	v7 =	vor.u32 v3, v12;
	(pc) =	sbr.rel @p1 .LBB2_9-.Ltmp7, $4  }
0x7b: {  	s6 =	smul.u32 s6, s12;
	v9 =	vor.u32 v9, v10;
	v11 =	vadd.s32 s7, v0;
	s7 =	sshrl.u32 s11, $0x1;
	v6 =	vor.u32 v3, v6  }
0x7c: {  	s0 =	sadd.s32 $0x200, s0;
	v9 =	vor.u32 v3, v9;
	v10 =	vshll.u32 v11, $0x3;
	v12 =	vadd.s32 s7, v0;
	s7 =	smul.u32 s12, s8  }
0x7d: {  	v11 =	vand.u32 $0x7F, v11;
	s8 =	sshrl.u32 s6, $0x1;
	v13 =	vand.u32 $0x7FFFFC00, v10;
	v10 =	vand.u32 $0x7F, v12;
	[tilespmem:s0+$0x0] =	vst v16  }
0x7e: {  	v13 =	vor.u32 v13, v11;
	v11 =	vshll.u32 v12, $0x3;
	s6 =	sshrl.u32 s7, $0x1;
	v12 =	vadd.s32 s8, v0;
	[tilespmem:s0+$0xFFFFFE80] =	vst v5;
	v5 =	vld.idx.msk [tilespmem:v14+s4+$0x0], $0xffff  }
0x7f: {  	_ =	sdelay $0x1  }
0x80: {  	v14 =	vshll.u32 v12, $0x3;
	v12 =	vand.u32 $0x7F, v12;
	v13 =	vor.u32 v3, v13  }
0x81: {  	v15 =	vadd.s32 s6, v0;
	v11 =	vand.u32 $0x7FFFFC00, v11;
	v14 =	vand.u32 $0x7FFFFC00, v14  }
0x82: {  	v7 =	vld.idx.msk [tilespmem:v7+s4+$0x0], $0xffff;
	v10 =	vor.u32 v11, v10;
	v12 =	vor.u32 v14, v12;
	v14 =	vshll.u32 v15, $0x3  }
0x83: {  	v15 =	vand.u32 $0x7F, v15;
	v12 =	vor.u32 v3, v12;
	v14 =	vand.u32 $0x7FFFFC00, v14  }
0x84: {  	v10 =	vor.u32 v3, v10;
	v62 =	vor.u32 v14, v15  }
0x85: {  	v9 =	vld.idx.msk [tilespmem:v9+s4+$0x0], $0xffff;
	[tilespmem:s0+$0xFFFFFF00] =	vst v8;
	v11 =	vor.u32 v3, v62  }
0x86: {  	v6 =	vld.idx.msk [tilespmem:v6+s4+$0x0], $0xffff;
	[tilespmem:s0+$0xFFFFFF80] =	vst v4;
	s0 =	sadd.s32 $0x200, s0  }
0x87: {  	[tilespmem:s0+$0x0] =	vst v7;
	v7 =	vld.idx.msk [tilespmem:v13+s4+$0x0], $0xffff  }
0x88: {  	s1 =	simm.s32 $0x20;
	s12 =	simm.s32 $0x21;
	v4 =	vld.idx.msk [tilespmem:v12+s4+$0x0], $0xffff  }
0x89: {  	s7 =	simm.s32 $0x22;
	s8 =	simm.s32 $0x23;
	s1 =	smul.u32 s1, s12;
	[tilespmem:s0+$0xFFFFFE80] =	vst v5;
	v5 =	vld.idx.msk [tilespmem:v10+s4+$0x0], $0xffff  }
0x8a: {  	s11 =	simm.s32 $0x24;
	p3 =	por $0x1, $0x1;
	s6 =	smul.u32 s7, s12;
	[tilespmem:s0+$0xFFFFFF00] =	vst v9;
	v63 =	vld.idx.msk [tilespmem:v11+s4+$0x0], $0xffff  }
.Ltmp8:
0x8b: {  	s1 =	sshrl.u32 s1, $0x1;
	[tilespmem:s0+$0xFFFFFF80] =	vst v6;
	s0 =	sadd.s32 $0x200, s0;
	(pc) =	sbr.rel @!p3 .LBB2_11-.Ltmp8, $4  }
0x8c: {  	s11 =	smul.u32 s11, s8;
	s6 =	sshrl.u32 s6, $0x1;
	s1 =	sadd.s32 $0x10, s1;
	[tilespmem:s0+$0xFFFFFE80] =	vst v7  }
0x8d: {  	s7 =	smul.u32 s8, s7;
	s8 =	sadd.s32 $0x10, s6;
	[tilespmem:s0+$0x0] =	vst v4;
	v4 =	vadd.s32 s1, v0  }
0x8e: {  	p2 =	por $0x0, $0x0;
	s12 =	sshrl.u32 s11, $0x1;
	v12 =	vadd.s32 s8, v0;
	[tilespmem:s0+$0xFFFFFF00] =	vst v5;
	v5 =	vshll.u32 v4, $0x3  }
0x8f: {  	p1 =	por $0x0, $0x0;
	s6 =	sshrl.u32 s7, $0x1;
	s11 =	sadd.s32 $0x10, s12;
	v13 =	vand.u32 $0x7F, v4;
	[tilespmem:s0+$0xFFFFFF80] =	vst v63;
	v14 =	vand.u32 $0xFFFFFC00, v5;
	v5 =	vand.u32 $0x7F, v12  }
0x90: {  	s0 =	simm.s32 $0x24;
	s1 =	simm.s32 $0x25;
	v4 =	vor.u32 v14, v13;
	v6 =	vshll.u32 v12, $0x3;
	s6 =	sadd.s32 $0x10, s6;
	v7 =	vadd.s32 s11, v0  }
0x91: {  	s7 =	simm.s32 $0x26;
	s0 =	smul.u32 s0, s1;
	v4 =	vor.u32 v3, v4;
	v8 =	vadd.s32 s6, v0;
	v9 =	vshll.u32 v7, $0x3  }
0x92: {  	s12 =	simm.s32 $0x27;
	p3 =	por $0x1, $0x1;
	s1 =	smul.u32 s7, s1;
	v7 =	vand.u32 $0x7F, v7;
	v6 =	vand.u32 $0xFFFFFC00, v6;
	v10 =	vshll.u32 v8, $0x3  }
.Ltmp9:
0x93: {  	s8 =	simm.s32 $0x28;
	v9 =	vand.u32 $0xFFFFFC00, v9;
	v8 =	vand.u32 $0x7F, v8;
	s0 =	sshrl.u32 s0, $0x1;
	v10 =	vand.u32 $0xFFFFFC00, v10;
	(pc) =	sbr.rel @!p3 .LBB2_13-.Ltmp9, $4  }
0x94: {  	s8 =	smul.u32 s8, s12;
	v5 =	vor.u32 v6, v5;
	v7 =	vor.u32 v9, v7;
	s1 =	sshrl.u32 s1, $0x1;
	s0 =	sadd.s32 $0x10, s0;
	v8 =	vor.u32 v10, v8  }
0x95: {  	s11 =	smul.u32 s12, s7;
	v9 =	vor.u32 v3, v7;
	s1 =	sadd.s32 $0x10, s1;
	v10 =	vor.u32 v3, v5;
	v11 =	vadd.s32 s0, v0  }
0x96: {  	s12 =	sshrl.u32 s8, $0x1;
	v7 =	vor.u32 v3, v8;
	v12 =	vadd.s32 s1, v0;
	v6 =	vshll.u32 v11, $0x3  }
0x97: {  	p2 =	por $0x1, $0x1;
	s6 =	sshrl.u32 s11, $0x1;
	s11 =	sadd.s32 $0x10, s12;
	v13 =	vand.u32 $0x7F, v11;
	v5 =	vand.u32 $0x7F, v12;
	v14 =	vand.u32 $0xFFFFFC00, v6  }
0x98: {  	_ =	sdelay $0x2  }
0x99: {  	s1 =	simm.s32 $0x28;
	s0 =	simm.s32 $0x29;
	v8 =	vor.u32 v14, v13;
	v11 =	vshll.u32 v12, $0x3;
	s6 =	sadd.s32 $0x10, s6;
	v12 =	vadd.s32 s11, v0  }
0x9a: {  	v6 =	vld.idx.msk [tilespmem:v4+s4+$0x0], $0xffff;
	s8 =	simm.s32 $0x2A;
	s7 =	smul.u32 s1, s0;
	v4 =	vor.u32 v3, v8;
	v8 =	vadd.s32 s6, v0;
	v13 =	vshll.u32 v12, $0x3  }
0x9b: {  	v15 =	vld.idx.msk [tilespmem:v9+s4+$0x0], $0xffff;
	s12 =	simm.s32 $0x2C;
	p4 =	por $0x1, $0x1;
	s0 =	smul.u32 s8, s0;
	v12 =	vand.u32 $0x7F, v12;
	v9 =	vshll.u32 v8, $0x3;
	v13 =	vand.u32 $0xFFFFFC00, v13  }
.Ltmp10:
0x9c: {  	v14 =	vand.u32 $0x7F, v8;
	v8 =	vld.idx.msk [tilespmem:v7+s4+$0x0], $0xffff;
	v7 =	vand.u32 $0xFFFFFC00, v11;
	s11 =	sshrl.u32 s7, $0x1;
	s7 =	simm.s32 $0x2B;
	v9 =	vand.u32 $0xFFFFFC00, v9;
	(pc) =	sbr.rel @!p4 .LBB2_15-.Ltmp10, $4  }
0x9d: {  	v12 =	vor.u32 v13, v12;
	s0 =	sshrl.u32 s0, $0x1;
	v5 =	vor.u32 v7, v5;
	s6 =	sadd.s32 $0x10, s11;
	s11 =	smul.u32 s12, s7;
	v13 =	vor.u32 v9, v14  }
0x9e: {  	v11 =	vld.idx.msk [tilespmem:v10+s4+$0x0], $0xffff;
	v9 =	vor.u32 v3, v12;
	s0 =	sadd.s32 $0x10, s0;
	s8 =	smul.u32 s7, s8;
	v10 =	vor.u32 v3, v5;
	v14 =	vadd.s32 s6, v0  }
0x9f: {  	p3 =	por $0x1, $0x1;
	v7 =	vor.u32 v3, v13;
	v12 =	vadd.s32 s0, v0;
	v16 =	vshll.u32 v14, $0x3;
	s12 =	sshrl.u32 s11, $0x1  }
0xa0: {  	[tilespmem:s31+$0x0] =	vst v15;
	s0 =	smov.u32 s31;
	v13 =	vand.u32 $0x7F, v14;
	v5 =	vand.u32 $0x7F, v12;
	s6 =	sshrl.u32 s8, $0x1;
	v14 =	vand.u32 $0xFFFFFC00, v16;
	s11 =	sadd.s32 $0x10, s12  }
.LBB2_16:
0xa1: {  	s7 =	sadd.s32 $0x5, s1;
	s8 =	smov.u32 s1;
	s1 =	sadd.s32 $0x4, s1  }
0xa2: {  	v13 =	vor.u32 v14, v13;
	v12 =	vshll.u32 v12, $0x3;
	s6 =	sadd.s32 $0x10, s6;
	v14 =	vadd.s32 s11, v0;
	[tilespmem:s0+$0xFFFFFE80] =	vst v6;
	v6 =	vld.idx.msk [tilespmem:v4+s4+$0x0], $0xffff;
	s11 =	smul.u32 s1, s7  }
0xa3: {  	s12 =	sadd.s32 $0x6, s8;
	v4 =	vor.u32 v3, v13;
	v13 =	vadd.s32 s6, v0;
	v15 =	vshll.u32 v14, $0x3;
	v16 =	vld.idx.msk [tilespmem:v9+s4+$0x0], $0xffff;
	[tilespmem:s0+$0xFFFFFF00] =	vst v11  }
0xa4: {  	v11 =	vand.u32 $0x7F, v14;
	p4 =	slt.u32 s1, $0x7C;
	s6 =	smul.u32 s12, s7;
	v9 =	vshll.u32 v13, $0x3;
	v14 =	vand.u32 $0xFFFFFC00, v15;
	[tilespmem:s0+$0xFFFFFF80] =	vst v8;
	v8 =	vld.idx.msk [tilespmem:v7+s4+$0x0], $0xffff;
	s7 =	sshrl.u32 s11, $0x1  }
.Ltmp11:
0xa5: {  	v7 =	vand.u32 $0x7F, v13;
	s11 =	sadd.s32 $0x7, s8;
	s8 =	sadd.s32 $0x8, s8;
	v9 =	vand.u32 $0xFFFFFC00, v9;
	v13 =	vor.u32 v14, v11;
	v11 =	vld.idx.msk [tilespmem:v10+s4+$0x0], $0xffff;
	(pc) =	sbr.rel @p4 .LBB2_16-.Ltmp11, $4  }
0xa6: {  	v10 =	vand.u32 $0xFFFFFC00, v12;
	s7 =	sadd.s32 $0x10, s7;
	s6 =	sshrl.u32 s6, $0x1;
	s8 =	smul.u32 s8, s11;
	v7 =	vor.u32 v9, v7;
	v9 =	vor.u32 v3, v13  }
0xa7: {  	v5 =	vor.u32 v10, v5;
	v13 =	vadd.s32 s7, v0;
	s6 =	sadd.s32 $0x10, s6;
	s7 =	smul.u32 s11, s12;
	v7 =	vor.u32 v3, v7  }
0xa8: {  	s0 =	sadd.s32 $0x200, s0;
	v10 =	vor.u32 v3, v5;
	v14 =	vshll.u32 v13, $0x3;
	v12 =	vadd.s32 s6, v0;
	s8 =	sshrl.u32 s8, $0x1  }
0xa9: {  	v13 =	vand.u32 $0x7F, v13;
	v14 =	vand.u32 $0xFFFFFC00, v14;
	v5 =	vand.u32 $0x7F, v12;
	s6 =	sshrl.u32 s7, $0x1;
	s11 =	sadd.s32 $0x10, s8;
	[tilespmem:s0+$0x0] =	vst v16  }
.LBB2_17:
0xaa: {  	_ = 	snop  }
0xab: {  	v15 =	vadd.s32 s11, v0  }
0xac: {  	v13 =	vor.u32 v14, v13;
	v14 =	vshll.u32 v15, $0x3  }
0xad: {  	v12 =	vshll.u32 v12, $0x3;
	s1 =	sadd.s32 $0x10, s6;
	v15 =	vand.u32 $0x7F, v15;
	v14 =	vand.u32 $0xFFFFFC00, v14  }
0xae: {  	v4 =	vld.idx.msk @p2 [tilespmem:v4+s4+$0x0], $0xffff;
	v12 =	vand.u32 $0xFFFFFC00, v12;
	v14 =	vor.u32 v14, v15;
	v15 =	vadd.s32 s1, v0  }
0xaf: {  	v9 =	vld.idx.msk @p2 [tilespmem:v9+s4+$0x0], $0xffff;
	v13 =	vor.u32 v3, v13;
	v5 =	vor.u32 v12, v5;
	v12 =	vshll.u32 v15, $0x3  }
0xb0: {  	v10 =	vld.idx.msk @p2 [tilespmem:v10+s4+$0x0], $0xffff;
	v5 =	vor.u32 v3, v5;
	v15 =	vand.u32 $0x7F, v15;
	v12 =	vand.u32 $0xFFFFFC00, v12  }
0xb1: {  	[tilespmem:s0+$0xFFFFFE80] =	vst @p3 v6;
	v6 =	vld.idx.msk @p2 [tilespmem:v7+s4+$0x0], $0xffff;
	v14 =	vor.u32 v3, v14;
	v12 =	vor.u32 v12, v15  }
0xb2: {  	[tilespmem:s0+$0xFFFFFF00] =	vst @p3 v11;
	s6 =	smov.u32 s31;
	s1 =	sadd.s32 @p3 $0x200, s0;
	v7 =	vor.u32 v3, v12  }
0xb3: {  	[tilespmem:s0+$0xFFFFFF80] =	vst @p3 v8;
	s6 =	smov.u32 @p3 s1  }
0xb4: {  	[tilespmem:s6+$0x0] =	vst @p2 v9;
	v4 =	vpsel p2, v4, v0;
	v63 =	vld.idx.msk [tilespmem:v13+s4+$0x0], $0xffff  }
0xb5: {  	s11 =	simm.s32 $0x30;
	s12 =	simm.s32 $0x31;
	s8 =	simm.s32 $0x32;
	v10 =	vpsel p2, v10, v0;
	[tilespmem:s6+$0xFFFFFE80] =	vst @p2 v4;
	v4 =	vld.idx.msk [tilespmem:v5+s4+$0x0], $0xffff  }
0xb6: {  	s0 =	smul.u32 s11, s12;
	s11 =	simm.s32 $0x33;
	s7 =	sadd.s32 @p2 $0x200, s6;
	[tilespmem:s6+$0xFFFFFF00] =	vst @p2 v10;
	v5 =	vpsel p2, v6, v0;
	v62 =	vld.idx.msk [tilespmem:v14+s4+$0x0], $0xffff  }
0xb7: {  	s1 =	smul.u32 s8, s12;
	s31 =	smov.u32 @p2 s7;
	[tilespmem:s6+$0xFFFFFF80] =	vst @p2 v5;
	p2 =	por $0x1, $0x1;
	v6 =	vld.idx.msk [tilespmem:v7+s4+$0x0], $0xffff  }
.Ltmp12:
0xb8: {  	s12 =	simm.s32 $0x34;
	s0 =	sshrl.u32 s0, $0x1;
	(pc) =	sbr.rel @!p2 .LBB2_18-.Ltmp12, $4  }
0xb9: {  	s0 =	sadd.s32 $0x20, s0;
	s1 =	sshrl.u32 s1, $0x1;
	s7 =	smul.u32 s12, s11;
	[tilespmem:s31+$0xFFFFFE80] =	vst v63  }
0xba: {  	s11 =	smul.u32 s11, s8;
	s1 =	sadd.s32 $0x20, s1;
	v5 =	vadd.s32 s0, v0;
	[tilespmem:s31+$0xFFFFFF00] =	vst v4  }
0xbb: {  	v12 =	vadd.s32 s1, v0;
	s12 =	sshrl.u32 s7, $0x1;
	v4 =	vshll.u32 v5, $0x3;
	[tilespmem:s31+$0x0] =	vst v62  }
0xbc: {  	s6 =	sshrl.u32 s11, $0x1;
	s11 =	sadd.s32 $0x20, s12;
	v13 =	vand.u32 $0x7F, v5;
	v5 =	vand.u32 $0x7F, v12;
	v14 =	vand.u32 $0xFFFFFC00, v4;
	[tilespmem:s31+$0xFFFFFF80] =	vst v6  }
0xbd: {  	s0 =	simm.s32 $0x34;
	s1 =	simm.s32 $0x35;
	v4 =	vor.u32 v14, v13;
	v6 =	vshll.u32 v12, $0x3;
	s6 =	sadd.s32 $0x20, s6;
	v7 =	vadd.s32 s11, v0  }
0xbe: {  	s7 =	simm.s32 $0x36;
	s0 =	smul.u32 s0, s1;
	v4 =	vor.u32 v3, v4;
	v8 =	vadd.s32 s6, v0;
	v9 =	vshll.u32 v7, $0x3  }
0xbf: {  	s31 =	simm.s32 $0x37;
	p3 =	por $0x1, $0x1;
	s1 =	smul.u32 s7, s1;
	v7 =	vand.u32 $0x7F, v7;
	v6 =	vand.u32 $0xFFFFFC00, v6;
	v10 =	vshll.u32 v8, $0x3  }
.Ltmp13:
0xc0: {  	s8 =	simm.s32 $0x38;
	v9 =	vand.u32 $0xFFFFFC00, v9;
	v8 =	vand.u32 $0x7F, v8;
	s0 =	sshrl.u32 s0, $0x1;
	v10 =	vand.u32 $0xFFFFFC00, v10;
	(pc) =	sbr.rel @!p3 .LBB2_20-.Ltmp13, $4  }
0xc1: {  	s8 =	smul.u32 s8, s31;
	v5 =	vor.u32 v6, v5;
	v7 =	vor.u32 v9, v7;
	s1 =	sshrl.u32 s1, $0x1;
	s0 =	sadd.s32 $0x20, s0;
	v8 =	vor.u32 v10, v8  }
0xc2: {  	s12 =	smul.u32 s31, s7;
	v9 =	vor.u32 v3, v7;
	s11 =	sadd.s32 $0x20, s1;
	v10 =	vor.u32 v3, v5;
	v11 =	vadd.s32 s0, v0  }
0xc3: {  	s31 =	sshrl.u32 s8, $0x1;
	v7 =	vor.u32 v3, v8;
	v12 =	vadd.s32 s11, v0;
	v6 =	vshll.u32 v11, $0x3  }
0xc4: {  	p2 =	por $0x1, $0x1;
	s6 =	sshrl.u32 s12, $0x1;
	s11 =	sadd.s32 $0x20, s31;
	v13 =	vand.u32 $0x7F, v11;
	v5 =	vand.u32 $0x7F, v12;
	v14 =	vand.u32 $0xFFFFFC00, v6  }
0xc5: {  	_ =	sdelay $0x2  }
0xc6: {  	s1 =	simm.s32 $0x38;
	s0 =	simm.s32 $0x39;
	v8 =	vor.u32 v14, v13;
	v11 =	vshll.u32 v12, $0x3;
	s6 =	sadd.s32 $0x20, s6;
	v12 =	vadd.s32 s11, v0  }
0xc7: {  	v6 =	vld.idx.msk [tilespmem:v4+s4+$0x0], $0xffff;
	s8 =	simm.s32 $0x3A;
	s7 =	smul.u32 s1, s0;
	v4 =	vor.u32 v3, v8;
	v8 =	vadd.s32 s6, v0;
	v13 =	vshll.u32 v12, $0x3  }
0xc8: {  	v15 =	vld.idx.msk [tilespmem:v9+s4+$0x0], $0xffff;
	s12 =	simm.s32 $0x3B;
	p3 =	por $0x1, $0x1;
	s0 =	smul.u32 s8, s0;
	v12 =	vand.u32 $0x7F, v12;
	v9 =	vshll.u32 v8, $0x3;
	v13 =	vand.u32 $0xFFFFFC00, v13  }
.Ltmp14:
0xc9: {  	s31 =	simm.s32 $0x3C;
	v14 =	vand.u32 $0x7F, v8;
	v8 =	vld.idx.msk [tilespmem:v7+s4+$0x0], $0xffff;
	v7 =	vand.u32 $0xFFFFFC00, v11;
	s11 =	sshrl.u32 s7, $0x1;
	v9 =	vand.u32 $0xFFFFFC00, v9;
	(pc) =	sbr.rel @!p3 .LBB2_22-.Ltmp14, $4  }
0xca: {  	v12 =	vor.u32 v13, v12;
	s0 =	sshrl.u32 s0, $0x1;
	v5 =	vor.u32 v7, v5;
	s6 =	sadd.s32 $0x20, s11;
	s11 =	smul.u32 s31, s12;
	v13 =	vor.u32 v9, v14  }
0xcb: {  	v11 =	vld.idx.msk [tilespmem:v10+s4+$0x0], $0xffff;
	v9 =	vor.u32 v3, v12;
	s0 =	sadd.s32 $0x20, s0;
	s12 =	smul.u32 s12, s8;
	v10 =	vor.u32 v3, v5;
	v14 =	vadd.s32 s6, v0  }
0xcc: {  	p1 =	por $0x1, $0x1;
	v7 =	vor.u32 v3, v13;
	v12 =	vadd.s32 s0, v0;
	v16 =	vshll.u32 v14, $0x3;
	s31 =	sshrl.u32 s11, $0x1  }
0xcd: {  	[tilespmem:s30+$0x0] =	vst v15;
	s0 =	smov.u32 s30;
	v13 =	vand.u32 $0x7F, v14;
	v5 =	vand.u32 $0x7F, v12;
	s6 =	sshrl.u32 s12, $0x1;
	v14 =	vand.u32 $0xFFFFFC00, v16;
	s11 =	sadd.s32 $0x20, s31  }
.LBB2_23:
0xce: {  	s7 =	sadd.s32 $0x5, s1;
	s8 =	smov.u32 s1;
	s1 =	sadd.s32 $0x4, s1  }
0xcf: {  	v13 =	vor.u32 v14, v13;
	v12 =	vshll.u32 v12, $0x3;
	s6 =	sadd.s32 $0x20, s6;
	v14 =	vadd.s32 s11, v0;
	[tilespmem:s0+$0xFFFFFE80] =	vst v6;
	v6 =	vld.idx.msk [tilespmem:v4+s4+$0x0], $0xffff;
	s11 =	smul.u32 s1, s7  }
0xd0: {  	s12 =	sadd.s32 $0x6, s8;
	v4 =	vor.u32 v3, v13;
	v13 =	vadd.s32 s6, v0;
	v15 =	vshll.u32 v14, $0x3;
	v16 =	vld.idx.msk [tilespmem:v9+s4+$0x0], $0xffff;
	[tilespmem:s0+$0xFFFFFF00] =	vst v11  }
0xd1: {  	v11 =	vand.u32 $0x7F, v14;
	p3 =	slt.u32 s1, $0x7C;
	s6 =	smul.u32 s12, s7;
	v9 =	vshll.u32 v13, $0x3;
	v14 =	vand.u32 $0xFFFFFC00, v15;
	[tilespmem:s0+$0xFFFFFF80] =	vst v8;
	v8 =	vld.idx.msk [tilespmem:v7+s4+$0x0], $0xffff;
	s7 =	sshrl.u32 s11, $0x1  }
.Ltmp15:
0xd2: {  	v7 =	vand.u32 $0x7F, v13;
	s11 =	sadd.s32 $0x7, s8;
	s8 =	sadd.s32 $0x8, s8;
	v9 =	vand.u32 $0xFFFFFC00, v9;
	v13 =	vor.u32 v14, v11;
	v11 =	vld.idx.msk [tilespmem:v10+s4+$0x0], $0xffff;
	(pc) =	sbr.rel @p3 .LBB2_23-.Ltmp15, $4  }
0xd3: {  	v10 =	vand.u32 $0xFFFFFC00, v12;
	s7 =	sadd.s32 $0x20, s7;
	s6 =	sshrl.u32 s6, $0x1;
	s8 =	smul.u32 s8, s11;
	v7 =	vor.u32 v9, v7;
	v9 =	vor.u32 v3, v13  }
0xd4: {  	v5 =	vor.u32 v10, v5;
	v13 =	vadd.s32 s7, v0;
	s6 =	sadd.s32 $0x20, s6;
	s7 =	smul.u32 s11, s12;
	v7 =	vor.u32 v3, v7  }
0xd5: {  	s0 =	sadd.s32 $0x200, s0;
	v10 =	vor.u32 v3, v5;
	v14 =	vshll.u32 v13, $0x3;
	v12 =	vadd.s32 s6, v0;
	s8 =	sshrl.u32 s8, $0x1  }
0xd6: {  	v13 =	vand.u32 $0x7F, v13;
	v14 =	vand.u32 $0xFFFFFC00, v14;
	v5 =	vand.u32 $0x7F, v12;
	s6 =	sshrl.u32 s7, $0x1;
	s11 =	sadd.s32 $0x20, s8;
	[tilespmem:s0+$0x0] =	vst v16  }
.LBB2_24:
0xd7: {  	v15 =	vadd.s32 s11, v0  }
0xd8: {  	v13 =	vor.u32 v14, v13;
	v14 =	vshll.u32 v15, $0x3  }
0xd9: {  	v12 =	vshll.u32 v12, $0x3;
	s1 =	sadd.s32 $0x20, s6;
	v15 =	vand.u32 $0x7F, v15;
	v14 =	vand.u32 $0xFFFFFC00, v14  }
0xda: {  	v12 =	vand.u32 $0xFFFFFC00, v12;
	v14 =	vor.u32 v14, v15;
	v15 =	vadd.s32 s1, v0  }
0xdb: {  	v4 =	vld.idx.msk @p2 [tilespmem:v4+s4+$0x0], $0xffff;
	v13 =	vor.u32 v3, v13;
	v5 =	vor.u32 v12, v5;
	v12 =	vshll.u32 v15, $0x3  }
0xdc: {  	v9 =	vld.idx.msk @p2 [tilespmem:v9+s4+$0x0], $0xffff;
	v5 =	vor.u32 v3, v5;
	v15 =	vand.u32 $0x7F, v15;
	v12 =	vand.u32 $0xFFFFFC00, v12  }
0xdd: {  	v10 =	vld.idx.msk @p2 [tilespmem:v10+s4+$0x0], $0xffff;
	v14 =	vor.u32 v3, v14;
	v12 =	vor.u32 v12, v15  }
0xde: {  	[tilespmem:s0+$0xFFFFFE80] =	vst @p1 v6;
	v6 =	vld.idx.msk @p2 [tilespmem:v7+s4+$0x0], $0xffff;
	v7 =	vor.u32 v3, v12  }
0xdf: {  	[tilespmem:s0+$0xFFFFFF00] =	vst @p1 v11;
	s6 =	smov.u32 s30;
	s1 =	sadd.s32 @p1 $0x200, s0  }
0xe0: {  	[tilespmem:s0+$0xFFFFFF80] =	vst @p1 v8;
	s6 =	smov.u32 @p1 s1;
	v4 =	vpsel p2, v4, v0;
	v63 =	vld.idx.msk [tilespmem:v13+s4+$0x0], $0xffff  }
0xe1: {  	s11 =	simm.s32 $0x40;
	s12 =	simm.s32 $0x41;
	s8 =	simm.s32 $0x42;
	[tilespmem:s6+$0xFFFFFE80] =	vst @p2 v4;
	v4 =	vld.idx.msk [tilespmem:v5+s4+$0x0], $0xffff  }
0xe2: {  	s31 =	simm.s32 $0x43;
	p3 =	por $0x1, $0x1;
	s0 =	smul.u32 s11, s12;
	[tilespmem:s6+$0x0] =	vst @p2 v9;
	v10 =	vpsel p2, v10, v0;
	v62 =	vld.idx.msk [tilespmem:v14+s4+$0x0], $0xffff  }
0xe3: {  	s1 =	smul.u32 s8, s12;
	s12 =	simm.s32 $0x44;
	s7 =	sadd.s32 @p2 $0x200, s6;
	[tilespmem:s6+$0xFFFFFF00] =	vst @p2 v10;
	v5 =	vpsel p2, v6, v0;
	v6 =	vld.idx.msk [tilespmem:v7+s4+$0x0], $0xffff  }
.Ltmp16:
0xe4: {  	s0 =	sshrl.u32 s0, $0x1;
	s30 =	smov.u32 @p2 s7;
	[tilespmem:s6+$0xFFFFFF80] =	vst @p2 v5;
	(pc) =	sbr.rel @!p3 .LBB2_25-.Ltmp16, $4  }
0xe5: {  	s7 =	smul.u32 s12, s31;
	s0 =	sadd.s32 $0x30, s0;
	s1 =	sshrl.u32 s1, $0x1;
	[tilespmem:s30+$0xFFFFFE80] =	vst v63  }
0xe6: {  	s11 =	smul.u32 s31, s8;
	s12 =	sadd.s32 $0x30, s1;
	v5 =	vadd.s32 s0, v0;
	[tilespmem:s30+$0xFFFFFF00] =	vst v4  }
0xe7: {  	p1 =	por $0x0, $0x0;
	v12 =	vadd.s32 s12, v0;
	s31 =	sshrl.u32 s7, $0x1;
	v4 =	vshll.u32 v5, $0x3;
	[tilespmem:s30+$0x0] =	vst v62  }
0xe8: {  	s6 =	sshrl.u32 s11, $0x1;
	s11 =	sadd.s32 $0x30, s31;
	p2 =	por $0x0, $0x0;
	v13 =	vand.u32 $0x7F, v5;
	v5 =	vand.u32 $0x7F, v12;
	v14 =	vand.u32 $0xFFFFFC00, v4;
	[tilespmem:s30+$0xFFFFFF80] =	vst v6  }
0xe9: {  	s0 =	simm.s32 $0x44;
	s1 =	simm.s32 $0x45;
	v4 =	vor.u32 v14, v13;
	v6 =	vshll.u32 v12, $0x3;
	s6 =	sadd.s32 $0x30, s6;
	v7 =	vadd.s32 s11, v0  }
0xea: {  	s7 =	simm.s32 $0x46;
	s0 =	smul.u32 s0, s1;
	v4 =	vor.u32 v3, v4;
	v8 =	vadd.s32 s6, v0;
	v9 =	vshll.u32 v7, $0x3  }
0xeb: {  	s11 =	simm.s32 $0x47;
	p3 =	por $0x1, $0x1;
	s1 =	smul.u32 s7, s1;
	v7 =	vand.u32 $0x7F, v7;
	v6 =	vand.u32 $0xFFFFFC00, v6;
	v10 =	vshll.u32 v8, $0x3  }
.Ltmp17:
0xec: {  	s8 =	simm.s32 $0x48;
	v9 =	vand.u32 $0xFFFFFC00, v9;
	v8 =	vand.u32 $0x7F, v8;
	s0 =	sshrl.u32 s0, $0x1;
	v10 =	vand.u32 $0xFFFFFC00, v10;
	(pc) =	sbr.rel @!p3 .LBB2_27-.Ltmp17, $4  }
0xed: {  	s8 =	smul.u32 s8, s11;
	v5 =	vor.u32 v6, v5;
	v7 =	vor.u32 v9, v7;
	s1 =	sshrl.u32 s1, $0x1;
	s0 =	sadd.s32 $0x30, s0;
	v8 =	vor.u32 v10, v8  }
0xee: {  	s30 =	smul.u32 s11, s7;
	v9 =	vor.u32 v3, v7;
	s12 =	sadd.s32 $0x30, s1;
	v10 =	vor.u32 v3, v5;
	v11 =	vadd.s32 s0, v0  }
0xef: {  	s31 =	sshrl.u32 s8, $0x1;
	v7 =	vor.u32 v3, v8;
	v12 =	vadd.s32 s12, v0;
	v6 =	vshll.u32 v11, $0x3  }
0xf0: {  	p2 =	por $0x1, $0x1;
	s6 =	sshrl.u32 s30, $0x1;
	s11 =	sadd.s32 $0x30, s31;
	v13 =	vand.u32 $0x7F, v11;
	v5 =	vand.u32 $0x7F, v12;
	v14 =	vand.u32 $0xFFFFFC00, v6  }
0xf1: {  	_ =	sdelay $0x2  }
0xf2: {  	s1 =	simm.s32 $0x48;
	s0 =	simm.s32 $0x49;
	v8 =	vor.u32 v14, v13;
	v11 =	vshll.u32 v12, $0x3;
	s6 =	sadd.s32 $0x30, s6;
	v12 =	vadd.s32 s11, v0  }
0xf3: {  	v6 =	vld.idx.msk [tilespmem:v4+s4+$0x0], $0xffff;
	s8 =	simm.s32 $0x4A;
	s7 =	smul.u32 s1, s0;
	v4 =	vor.u32 v3, v8;
	v8 =	vadd.s32 s6, v0;
	v13 =	vshll.u32 v12, $0x3  }
0xf4: {  	v15 =	vld.idx.msk [tilespmem:v9+s4+$0x0], $0xffff;
	s31 =	simm.s32 $0x4B;
	p4 =	por $0x1, $0x1;
	s0 =	smul.u32 s8, s0;
	v12 =	vand.u32 $0x7F, v12;
	v9 =	vshll.u32 v8, $0x3;
	v13 =	vand.u32 $0xFFFFFC00, v13  }
.Ltmp18:
0xf5: {  	s12 =	simm.s32 $0x4C;
	v14 =	vand.u32 $0x7F, v8;
	v8 =	vld.idx.msk [tilespmem:v7+s4+$0x0], $0xffff;
	v7 =	vand.u32 $0xFFFFFC00, v11;
	s30 =	sshrl.u32 s7, $0x1;
	v9 =	vand.u32 $0xFFFFFC00, v9;
	(pc) =	sbr.rel @!p4 .LBB2_29-.Ltmp18, $4  }
0xf6: {  	s11 =	smul.u32 s12, s31;
	v12 =	vor.u32 v13, v12;
	s0 =	sshrl.u32 s0, $0x1;
	v5 =	vor.u32 v7, v5;
	s6 =	sadd.s32 $0x30, s30;
	v13 =	vor.u32 v9, v14  }
0xf7: {  	v11 =	vld.idx.msk [tilespmem:v10+s4+$0x0], $0xffff;
	v9 =	vor.u32 v3, v12;
	s0 =	sadd.s32 $0x30, s0;
	s30 =	smul.u32 s31, s8;
	v10 =	vor.u32 v3, v5;
	v14 =	vadd.s32 s6, v0  }
0xf8: {  	p3 =	por $0x1, $0x1;
	s31 =	sshrl.u32 s11, $0x1;
	v7 =	vor.u32 v3, v13;
	v12 =	vadd.s32 s0, v0;
	v16 =	vshll.u32 v14, $0x3  }
0xf9: {  	s11 =	sadd.s32 $0x30, s31;
	[tilespmem:s29+$0x0] =	vst v15;
	s0 =	smov.u32 s29;
	v13 =	vand.u32 $0x7F, v14;
	v5 =	vand.u32 $0x7F, v12;
	s6 =	sshrl.u32 s30, $0x1;
	v14 =	vand.u32 $0xFFFFFC00, v16  }
.LBB2_30:
0xfa: {  	s7 =	sadd.s32 $0x5, s1;
	s8 =	smov.u32 s1;
	s1 =	sadd.s32 $0x4, s1  }
0xfb: {  	v13 =	vor.u32 v14, v13;
	v12 =	vshll.u32 v12, $0x3;
	s6 =	sadd.s32 $0x30, s6;
	v14 =	vadd.s32 s11, v0;
	[tilespmem:s0+$0xFFFFFE80] =	vst v6;
	v6 =	vld.idx.msk [tilespmem:v4+s4+$0x0], $0xffff;
	s11 =	smul.u32 s1, s7  }
0xfc: {  	s12 =	sadd.s32 $0x6, s8;
	v4 =	vor.u32 v3, v13;
	v13 =	vadd.s32 s6, v0;
	v15 =	vshll.u32 v14, $0x3;
	v16 =	vld.idx.msk [tilespmem:v9+s4+$0x0], $0xffff;
	[tilespmem:s0+$0xFFFFFF00] =	vst v11  }
0xfd: {  	v11 =	vand.u32 $0x7F, v14;
	p4 =	slt.u32 s1, $0x7C;
	s6 =	smul.u32 s12, s7;
	v9 =	vshll.u32 v13, $0x3;
	v14 =	vand.u32 $0xFFFFFC00, v15;
	[tilespmem:s0+$0xFFFFFF80] =	vst v8;
	v8 =	vld.idx.msk [tilespmem:v7+s4+$0x0], $0xffff;
	s7 =	sshrl.u32 s11, $0x1  }
.Ltmp19:
0xfe: {  	v7 =	vand.u32 $0x7F, v13;
	s11 =	sadd.s32 $0x7, s8;
	s8 =	sadd.s32 $0x8, s8;
	v9 =	vand.u32 $0xFFFFFC00, v9;
	v13 =	vor.u32 v14, v11;
	v11 =	vld.idx.msk [tilespmem:v10+s4+$0x0], $0xffff;
	(pc) =	sbr.rel @p4 .LBB2_30-.Ltmp19, $4  }
0xff: {  	v10 =	vand.u32 $0xFFFFFC00, v12;
	s7 =	sadd.s32 $0x30, s7;
	s6 =	sshrl.u32 s6, $0x1;
	s8 =	smul.u32 s8, s11;
	v7 =	vor.u32 v9, v7;
	v9 =	vor.u32 v3, v13  }
0x100: {  	v5 =	vor.u32 v10, v5;
	v13 =	vadd.s32 s7, v0;
	s6 =	sadd.s32 $0x30, s6;
	s7 =	smul.u32 s11, s12;
	v7 =	vor.u32 v3, v7  }
0x101: {  	s0 =	sadd.s32 $0x200, s0;
	v10 =	vor.u32 v3, v5;
	v14 =	vshll.u32 v13, $0x3;
	v12 =	vadd.s32 s6, v0;
	s8 =	sshrl.u32 s8, $0x1  }
0x102: {  	v13 =	vand.u32 $0x7F, v13;
	v14 =	vand.u32 $0xFFFFFC00, v14;
	v5 =	vand.u32 $0x7F, v12;
	s6 =	sshrl.u32 s7, $0x1;
	s11 =	sadd.s32 $0x30, s8;
	[tilespmem:s0+$0x0] =	vst v16  }
.LBB2_31:
0x103: {  	_ = 	snop  }
0x104: {  	v15 =	vadd.s32 s11, v0  }
0x105: {  	v13 =	vor.u32 v14, v13;
	v14 =	vshll.u32 v15, $0x3  }
0x106: {  	v12 =	vshll.u32 v12, $0x3;
	s1 =	sadd.s32 $0x30, s6;
	v15 =	vand.u32 $0x7F, v15;
	v14 =	vand.u32 $0xFFFFFC00, v14  }
0x107: {  	v4 =	vld.idx.msk @p2 [tilespmem:v4+s4+$0x0], $0xffff;
	v12 =	vand.u32 $0xFFFFFC00, v12;
	v14 =	vor.u32 v14, v15;
	v15 =	vadd.s32 s1, v0  }
0x108: {  	v9 =	vld.idx.msk @p2 [tilespmem:v9+s4+$0x0], $0xffff;
	v13 =	vor.u32 v3, v13;
	v5 =	vor.u32 v12, v5;
	v12 =	vshll.u32 v15, $0x3  }
0x109: {  	v10 =	vld.idx.msk @p2 [tilespmem:v10+s4+$0x0], $0xffff;
	v5 =	vor.u32 v3, v5;
	v15 =	vand.u32 $0x7F, v15;
	v12 =	vand.u32 $0xFFFFFC00, v12  }
0x10a: {  	[tilespmem:s0+$0xFFFFFE80] =	vst @p3 v6;
	v6 =	vld.idx.msk @p2 [tilespmem:v7+s4+$0x0], $0xffff;
	v14 =	vor.u32 v3, v14;
	v12 =	vor.u32 v12, v15  }
0x10b: {  	[tilespmem:s0+$0xFFFFFF00] =	vst @p3 v11;
	s6 =	smov.u32 s29;
	s1 =	sadd.s32 @p3 $0x200, s0;
	v7 =	vor.u32 v3, v12  }
0x10c: {  	[tilespmem:s0+$0xFFFFFF80] =	vst @p3 v8;
	s6 =	smov.u32 @p3 s1  }
0x10d: {  	[tilespmem:s6+$0x0] =	vst @p2 v9;
	v4 =	vpsel p2, v4, v0;
	v63 =	vld.idx.msk [tilespmem:v13+s4+$0x0], $0xffff  }
0x10e: {  	s12 =	simm.s32 $0x50;
	s30 =	simm.s32 $0x51;
	s8 =	simm.s32 $0x52;
	v10 =	vpsel p2, v10, v0;
	[tilespmem:s6+$0xFFFFFE80] =	vst @p2 v4;
	v4 =	vld.idx.msk [tilespmem:v5+s4+$0x0], $0xffff  }
0x10f: {  	s31 =	simm.s32 $0x53;
	s0 =	smul.u32 s12, s30;
	s7 =	sadd.s32 @p2 $0x200, s6;
	[tilespmem:s6+$0xFFFFFF00] =	vst @p2 v10;
	v5 =	vpsel p2, v6, v0;
	v62 =	vld.idx.msk [tilespmem:v14+s4+$0x0], $0xffff  }
0x110: {  	s1 =	smul.u32 s8, s30;
	s29 =	smov.u32 @p2 s7;
	[tilespmem:s6+$0xFFFFFF80] =	vst @p2 v5;
	p2 =	por $0x1, $0x1;
	v6 =	vld.idx.msk [tilespmem:v7+s4+$0x0], $0xffff  }
.Ltmp20:
0x111: {  	s11 =	simm.s32 $0x54;
	s0 =	sshrl.u32 s0, $0x1;
	(pc) =	sbr.rel @!p2 .LBB2_32-.Ltmp20, $4  }
0x112: {  	s0 =	sadd.s32 $0x40, s0;
	s1 =	sshrl.u32 s1, $0x1;
	s7 =	smul.u32 s11, s31;
	[tilespmem:s29+$0xFFFFFE80] =	vst v63  }
0x113: {  	s30 =	smul.u32 s31, s8;
	s12 =	sadd.s32 $0x40, s1;
	v5 =	vadd.s32 s0, v0;
	[tilespmem:s29+$0xFFFFFF00] =	vst v4  }
0x114: {  	v12 =	vadd.s32 s12, v0;
	s31 =	sshrl.u32 s7, $0x1;
	v4 =	vshll.u32 v5, $0x3;
	[tilespmem:s29+$0x0] =	vst v62  }
0x115: {  	s6 =	sshrl.u32 s30, $0x1;
	s11 =	sadd.s32 $0x40, s31;
	v13 =	vand.u32 $0x7F, v5;
	v5 =	vand.u32 $0x7F, v12;
	v14 =	vand.u32 $0xFFFFFC00, v4;
	[tilespmem:s29+$0xFFFFFF80] =	vst v6  }
0x116: {  	s0 =	simm.s32 $0x54;
	s1 =	simm.s32 $0x55;
	v4 =	vor.u32 v14, v13;
	v6 =	vshll.u32 v12, $0x3;
	s6 =	sadd.s32 $0x40, s6;
	v7 =	vadd.s32 s11, v0  }
0x117: {  	s7 =	simm.s32 $0x56;
	s0 =	smul.u32 s0, s1;
	v4 =	vor.u32 v3, v4;
	v8 =	vadd.s32 s6, v0;
	v9 =	vshll.u32 v7, $0x3  }
0x118: {  	s12 =	simm.s32 $0x57;
	p3 =	por $0x1, $0x1;
	s1 =	smul.u32 s7, s1;
	v7 =	vand.u32 $0x7F, v7;
	v6 =	vand.u32 $0xFFFFFC00, v6;
	v10 =	vshll.u32 v8, $0x3  }
.Ltmp21:
0x119: {  	s8 =	simm.s32 $0x58;
	v9 =	vand.u32 $0xFFFFFC00, v9;
	v8 =	vand.u32 $0x7F, v8;
	s0 =	sshrl.u32 s0, $0x1;
	v10 =	vand.u32 $0xFFFFFC00, v10;
	(pc) =	sbr.rel @!p3 .LBB2_34-.Ltmp21, $4  }
0x11a: {  	s8 =	smul.u32 s8, s12;
	v5 =	vor.u32 v6, v5;
	v7 =	vor.u32 v9, v7;
	s1 =	sshrl.u32 s1, $0x1;
	s0 =	sadd.s32 $0x40, s0;
	v8 =	vor.u32 v10, v8  }
0x11b: {  	s30 =	smul.u32 s12, s7;
	v9 =	vor.u32 v3, v7;
	s29 =	sadd.s32 $0x40, s1;
	v10 =	vor.u32 v3, v5;
	v11 =	vadd.s32 s0, v0  }
0x11c: {  	s31 =	sshrl.u32 s8, $0x1;
	v7 =	vor.u32 v3, v8;
	v12 =	vadd.s32 s29, v0;
	v6 =	vshll.u32 v11, $0x3  }
0x11d: {  	p2 =	por $0x1, $0x1;
	s6 =	sshrl.u32 s30, $0x1;
	s11 =	sadd.s32 $0x40, s31;
	v13 =	vand.u32 $0x7F, v11;
	v5 =	vand.u32 $0x7F, v12;
	v14 =	vand.u32 $0xFFFFFC00, v6  }
0x11e: {  	_ =	sdelay $0x2  }
0x11f: {  	s1 =	simm.s32 $0x58;
	s0 =	simm.s32 $0x59;
	v8 =	vor.u32 v14, v13;
	v11 =	vshll.u32 v12, $0x3;
	s6 =	sadd.s32 $0x40, s6;
	v12 =	vadd.s32 s11, v0  }
0x120: {  	v6 =	vld.idx.msk [tilespmem:v4+s4+$0x0], $0xffff;
	s8 =	simm.s32 $0x5A;
	s7 =	smul.u32 s1, s0;
	v4 =	vor.u32 v3, v8;
	v8 =	vadd.s32 s6, v0;
	v13 =	vshll.u32 v12, $0x3  }
0x121: {  	v15 =	vld.idx.msk [tilespmem:v9+s4+$0x0], $0xffff;
	s12 =	simm.s32 $0x5B;
	p3 =	por $0x1, $0x1;
	s0 =	smul.u32 s8, s0;
	v12 =	vand.u32 $0x7F, v12;
	v9 =	vshll.u32 v8, $0x3;
	v13 =	vand.u32 $0xFFFFFC00, v13  }
.Ltmp22:
0x122: {  	s29 =	simm.s32 $0x5C;
	v14 =	vand.u32 $0x7F, v8;
	v8 =	vld.idx.msk [tilespmem:v7+s4+$0x0], $0xffff;
	v7 =	vand.u32 $0xFFFFFC00, v11;
	s11 =	sshrl.u32 s7, $0x1;
	v9 =	vand.u32 $0xFFFFFC00, v9;
	(pc) =	sbr.rel @!p3 .LBB2_36-.Ltmp22, $4  }
0x123: {  	v12 =	vor.u32 v13, v12;
	s0 =	sshrl.u32 s0, $0x1;
	v5 =	vor.u32 v7, v5;
	s6 =	sadd.s32 $0x40, s11;
	s11 =	smul.u32 s29, s12;
	v13 =	vor.u32 v9, v14  }
0x124: {  	s30 =	smul.u32 s12, s8;
	v11 =	vld.idx.msk [tilespmem:v10+s4+$0x0], $0xffff;
	v9 =	vor.u32 v3, v12;
	s0 =	sadd.s32 $0x40, s0;
	v10 =	vor.u32 v3, v5;
	v14 =	vadd.s32 s6, v0  }
0x125: {  	p1 =	por $0x1, $0x1;
	v7 =	vor.u32 v3, v13;
	v12 =	vadd.s32 s0, v0;
	v16 =	vshll.u32 v14, $0x3;
	s31 =	sshrl.u32 s11, $0x1  }
0x126: {  	s6 =	sshrl.u32 s30, $0x1;
	[tilespmem:s28+$0x0] =	vst v15;
	s0 =	smov.u32 s28;
	v13 =	vand.u32 $0x7F, v14;
	v5 =	vand.u32 $0x7F, v12;
	v14 =	vand.u32 $0xFFFFFC00, v16;
	s11 =	sadd.s32 $0x40, s31  }
.LBB2_37:
0x127: {  	s7 =	sadd.s32 $0x5, s1;
	s8 =	smov.u32 s1;
	s1 =	sadd.s32 $0x4, s1  }
0x128: {  	v13 =	vor.u32 v14, v13;
	v12 =	vshll.u32 v12, $0x3;
	s6 =	sadd.s32 $0x40, s6;
	v14 =	vadd.s32 s11, v0;
	[tilespmem:s0+$0xFFFFFE80] =	vst v6;
	v6 =	vld.idx.msk [tilespmem:v4+s4+$0x0], $0xffff;
	s11 =	smul.u32 s1, s7  }
0x129: {  	s12 =	sadd.s32 $0x6, s8;
	v4 =	vor.u32 v3, v13;
	v13 =	vadd.s32 s6, v0;
	v15 =	vshll.u32 v14, $0x3;
	v16 =	vld.idx.msk [tilespmem:v9+s4+$0x0], $0xffff;
	[tilespmem:s0+$0xFFFFFF00] =	vst v11  }
0x12a: {  	v11 =	vand.u32 $0x7F, v14;
	p3 =	slt.u32 s1, $0x7C;
	s6 =	smul.u32 s12, s7;
	v9 =	vshll.u32 v13, $0x3;
	v14 =	vand.u32 $0xFFFFFC00, v15;
	[tilespmem:s0+$0xFFFFFF80] =	vst v8;
	v8 =	vld.idx.msk [tilespmem:v7+s4+$0x0], $0xffff;
	s7 =	sshrl.u32 s11, $0x1  }
.Ltmp23:
0x12b: {  	v7 =	vand.u32 $0x7F, v13;
	s11 =	sadd.s32 $0x7, s8;
	s8 =	sadd.s32 $0x8, s8;
	v9 =	vand.u32 $0xFFFFFC00, v9;
	v13 =	vor.u32 v14, v11;
	v11 =	vld.idx.msk [tilespmem:v10+s4+$0x0], $0xffff;
	(pc) =	sbr.rel @p3 .LBB2_37-.Ltmp23, $4  }
0x12c: {  	v10 =	vand.u32 $0xFFFFFC00, v12;
	s7 =	sadd.s32 $0x40, s7;
	s6 =	sshrl.u32 s6, $0x1;
	s8 =	smul.u32 s8, s11;
	v7 =	vor.u32 v9, v7;
	v9 =	vor.u32 v3, v13  }
0x12d: {  	v5 =	vor.u32 v10, v5;
	v13 =	vadd.s32 s7, v0;
	s6 =	sadd.s32 $0x40, s6;
	s7 =	smul.u32 s11, s12;
	v7 =	vor.u32 v3, v7  }
0x12e: {  	s0 =	sadd.s32 $0x200, s0;
	v10 =	vor.u32 v3, v5;
	v14 =	vshll.u32 v13, $0x3;
	v12 =	vadd.s32 s6, v0;
	s8 =	sshrl.u32 s8, $0x1  }
0x12f: {  	v13 =	vand.u32 $0x7F, v13;
	v14 =	vand.u32 $0xFFFFFC00, v14;
	v5 =	vand.u32 $0x7F, v12;
	s6 =	sshrl.u32 s7, $0x1;
	s11 =	sadd.s32 $0x40, s8;
	[tilespmem:s0+$0x0] =	vst v16  }
.LBB2_38:
0x130: {  	v15 =	vadd.s32 s11, v0  }
0x131: {  	v13 =	vor.u32 v14, v13;
	v14 =	vshll.u32 v15, $0x3  }
0x132: {  	v12 =	vshll.u32 v12, $0x3;
	s1 =	sadd.s32 $0x40, s6;
	v15 =	vand.u32 $0x7F, v15;
	v14 =	vand.u32 $0xFFFFFC00, v14  }
0x133: {  	v12 =	vand.u32 $0xFFFFFC00, v12;
	v14 =	vor.u32 v14, v15;
	v15 =	vadd.s32 s1, v0  }
0x134: {  	v4 =	vld.idx.msk @p2 [tilespmem:v4+s4+$0x0], $0xffff;
	v13 =	vor.u32 v3, v13;
	v5 =	vor.u32 v12, v5;
	v12 =	vshll.u32 v15, $0x3  }
0x135: {  	v9 =	vld.idx.msk @p2 [tilespmem:v9+s4+$0x0], $0xffff;
	v5 =	vor.u32 v3, v5;
	v15 =	vand.u32 $0x7F, v15;
	v12 =	vand.u32 $0xFFFFFC00, v12  }
0x136: {  	v10 =	vld.idx.msk @p2 [tilespmem:v10+s4+$0x0], $0xffff;
	v14 =	vor.u32 v3, v14;
	v12 =	vor.u32 v12, v15  }
0x137: {  	[tilespmem:s0+$0xFFFFFE80] =	vst @p1 v6;
	v6 =	vld.idx.msk @p2 [tilespmem:v7+s4+$0x0], $0xffff;
	v7 =	vor.u32 v3, v12  }
0x138: {  	[tilespmem:s0+$0xFFFFFF00] =	vst @p1 v11;
	s6 =	smov.u32 s28;
	s1 =	sadd.s32 @p1 $0x200, s0  }
0x139: {  	[tilespmem:s0+$0xFFFFFF80] =	vst @p1 v8;
	s31 =	simm.s32 $0x63;
	s12 =	simm.s32 $0x64;
	s6 =	smov.u32 @p1 s1;
	v4 =	vpsel p2, v4, v0;
	v63 =	vld.idx.msk [tilespmem:v13+s4+$0x0], $0xffff  }
0x13a: {  	s29 =	simm.s32 $0x60;
	s30 =	simm.s32 $0x61;
	s12 =	smul.u32 s12, s31;
	[tilespmem:s6+$0xFFFFFE80] =	vst @p2 v4;
	v4 =	vld.idx.msk [tilespmem:v5+s4+$0x0], $0xffff  }
0x13b: {  	s8 =	simm.s32 $0x62;
	s0 =	smul.u32 s29, s30;
	[tilespmem:s6+$0x0] =	vst @p2 v9;
	v10 =	vpsel p2, v10, v0;
	v62 =	vld.idx.msk [tilespmem:v14+s4+$0x0], $0xffff  }
0x13c: {  	p3 =	por $0x1, $0x1;
	s1 =	smul.u32 s8, s30;
	s7 =	sadd.s32 @p2 $0x200, s6;
	[tilespmem:s6+$0xFFFFFF00] =	vst @p2 v10;
	v5 =	vpsel p2, v6, v0;
	v6 =	vld.idx.msk [tilespmem:v7+s4+$0x0], $0xffff  }
.Ltmp24:
0x13d: {  	s0 =	sshrl.u32 s0, $0x1;
	s28 =	smov.u32 @p2 s7;
	[tilespmem:s6+$0xFFFFFF80] =	vst @p2 v5;
	(pc) =	sbr.rel @!p3 .LBB2_39-.Ltmp24, $4  }
0x13e: {  	s0 =	sadd.s32 $0x50, s0;
	s1 =	sshrl.u32 s1, $0x1;
	[tilespmem:s28+$0xFFFFFE80] =	vst v63  }
0x13f: {  	s29 =	smul.u32 s31, s8;
	s31 =	sshrl.u32 s12, $0x1;
	s30 =	sadd.s32 $0x50, s1;
	v5 =	vadd.s32 s0, v0;
	[tilespmem:s28+$0xFFFFFF00] =	vst v4  }
0x140: {  	s11 =	sadd.s32 $0x50, s31;
	v12 =	vadd.s32 s30, v0;
	v4 =	vshll.u32 v5, $0x3;
	[tilespmem:s28+$0x0] =	vst v62  }
0x141: {  	p1 =	por $0x0, $0x0;
	s6 =	sshrl.u32 s29, $0x1;
	p2 =	por $0x0, $0x0;
	v13 =	vand.u32 $0x7F, v5;
	v5 =	vand.u32 $0x7F, v12;
	v14 =	vand.u32 $0xFFFFFC00, v4;
	[tilespmem:s28+$0xFFFFFF80] =	vst v6  }
0x142: {  	s0 =	simm.s32 $0x64;
	s1 =	simm.s32 $0x65;
	v4 =	vor.u32 v14, v13;
	v6 =	vshll.u32 v12, $0x3;
	s6 =	sadd.s32 $0x50, s6;
	v7 =	vadd.s32 s11, v0  }
0x143: {  	s7 =	simm.s32 $0x66;
	s0 =	smul.u32 s0, s1;
	v4 =	vor.u32 v3, v4;
	v8 =	vadd.s32 s6, v0;
	v9 =	vshll.u32 v7, $0x3  }
0x144: {  	s28 =	simm.s32 $0x67;
	p3 =	por $0x1, $0x1;
	s1 =	smul.u32 s7, s1;
	v7 =	vand.u32 $0x7F, v7;
	v6 =	vand.u32 $0xFFFFFC00, v6;
	v10 =	vshll.u32 v8, $0x3  }
.Ltmp25:
0x145: {  	s8 =	simm.s32 $0x68;
	v9 =	vand.u32 $0xFFFFFC00, v9;
	v8 =	vand.u32 $0x7F, v8;
	s0 =	sshrl.u32 s0, $0x1;
	v10 =	vand.u32 $0xFFFFFC00, v10;
	(pc) =	sbr.rel @!p3 .LBB2_41-.Ltmp25, $4  }
0x146: {  	s8 =	smul.u32 s8, s28;
	v5 =	vor.u32 v6, v5;
	v7 =	vor.u32 v9, v7;
	s1 =	sshrl.u32 s1, $0x1;
	s0 =	sadd.s32 $0x50, s0;
	v8 =	vor.u32 v10, v8  }
0x147: {  	s30 =	smul.u32 s28, s7;
	v9 =	vor.u32 v3, v7;
	s29 =	sadd.s32 $0x50, s1;
	v10 =	vor.u32 v3, v5;
	v11 =	vadd.s32 s0, v0  }
0x148: {  	s31 =	sshrl.u32 s8, $0x1;
	v7 =	vor.u32 v3, v8;
	v12 =	vadd.s32 s29, v0;
	v6 =	vshll.u32 v11, $0x3  }
0x149: {  	p2 =	por $0x1, $0x1;
	s6 =	sshrl.u32 s30, $0x1;
	s11 =	sadd.s32 $0x50, s31;
	v13 =	vand.u32 $0x7F, v11;
	v5 =	vand.u32 $0x7F, v12;
	v14 =	vand.u32 $0xFFFFFC00, v6  }
0x14a: {  	_ =	sdelay $0x2  }
0x14b: {  	s1 =	simm.s32 $0x68;
	s0 =	simm.s32 $0x69;
	v8 =	vor.u32 v14, v13;
	v11 =	vshll.u32 v12, $0x3;
	s6 =	sadd.s32 $0x50, s6;
	v12 =	vadd.s32 s11, v0  }
0x14c: {  	v6 =	vld.idx.msk [tilespmem:v4+s4+$0x0], $0xffff;
	s8 =	simm.s32 $0x6A;
	s7 =	smul.u32 s1, s0;
	v4 =	vor.u32 v3, v8;
	v8 =	vadd.s32 s6, v0;
	v13 =	vshll.u32 v12, $0x3  }
0x14d: {  	v15 =	vld.idx.msk [tilespmem:v9+s4+$0x0], $0xffff;
	s28 =	simm.s32 $0x6B;
	p4 =	por $0x1, $0x1;
	s0 =	smul.u32 s8, s0;
	v12 =	vand.u32 $0x7F, v12;
	v9 =	vshll.u32 v8, $0x3;
	v13 =	vand.u32 $0xFFFFFC00, v13  }
.Ltmp26:
0x14e: {  	s29 =	simm.s32 $0x6C;
	v14 =	vand.u32 $0x7F, v8;
	v8 =	vld.idx.msk [tilespmem:v7+s4+$0x0], $0xffff;
	v7 =	vand.u32 $0xFFFFFC00, v11;
	s12 =	sshrl.u32 s7, $0x1;
	v9 =	vand.u32 $0xFFFFFC00, v9;
	(pc) =	sbr.rel @!p4 .LBB2_43-.Ltmp26, $4  }
0x14f: {  	s11 =	smul.u32 s29, s28;
	v12 =	vor.u32 v13, v12;
	s0 =	sshrl.u32 s0, $0x1;
	v5 =	vor.u32 v7, v5;
	s6 =	sadd.s32 $0x50, s12;
	v13 =	vor.u32 v9, v14  }
0x150: {  	s30 =	smul.u32 s28, s8;
	v11 =	vld.idx.msk [tilespmem:v10+s4+$0x0], $0xffff;
	v9 =	vor.u32 v3, v12;
	s0 =	sadd.s32 $0x50, s0;
	v10 =	vor.u32 v3, v5;
	v14 =	vadd.s32 s6, v0  }
0x151: {  	p3 =	por $0x1, $0x1;
	s31 =	sshrl.u32 s11, $0x1;
	v7 =	vor.u32 v3, v13;
	v12 =	vadd.s32 s0, v0;
	v16 =	vshll.u32 v14, $0x3  }
0x152: {  	s11 =	sadd.s32 $0x50, s31;
	s6 =	sshrl.u32 s30, $0x1;
	[tilespmem:s26+$0x0] =	vst v15;
	s0 =	smov.u32 s26;
	v13 =	vand.u32 $0x7F, v14;
	v5 =	vand.u32 $0x7F, v12;
	v14 =	vand.u32 $0xFFFFFC00, v16  }
.LBB2_44:
0x153: {  	s7 =	sadd.s32 $0x5, s1;
	s8 =	smov.u32 s1;
	s1 =	sadd.s32 $0x4, s1  }
0x154: {  	v13 =	vor.u32 v14, v13;
	v12 =	vshll.u32 v12, $0x3;
	s6 =	sadd.s32 $0x50, s6;
	v14 =	vadd.s32 s11, v0;
	[tilespmem:s0+$0xFFFFFE80] =	vst v6;
	v6 =	vld.idx.msk [tilespmem:v4+s4+$0x0], $0xffff;
	s11 =	smul.u32 s1, s7  }
0x155: {  	s12 =	sadd.s32 $0x6, s8;
	v4 =	vor.u32 v3, v13;
	v13 =	vadd.s32 s6, v0;
	v15 =	vshll.u32 v14, $0x3;
	v16 =	vld.idx.msk [tilespmem:v9+s4+$0x0], $0xffff;
	[tilespmem:s0+$0xFFFFFF00] =	vst v11  }
0x156: {  	v11 =	vand.u32 $0x7F, v14;
	p4 =	slt.u32 s1, $0x7C;
	s6 =	smul.u32 s12, s7;
	v9 =	vshll.u32 v13, $0x3;
	v14 =	vand.u32 $0xFFFFFC00, v15;
	[tilespmem:s0+$0xFFFFFF80] =	vst v8;
	v8 =	vld.idx.msk [tilespmem:v7+s4+$0x0], $0xffff;
	s7 =	sshrl.u32 s11, $0x1  }
.Ltmp27:
0x157: {  	v7 =	vand.u32 $0x7F, v13;
	s11 =	sadd.s32 $0x7, s8;
	s8 =	sadd.s32 $0x8, s8;
	v9 =	vand.u32 $0xFFFFFC00, v9;
	v13 =	vor.u32 v14, v11;
	v11 =	vld.idx.msk [tilespmem:v10+s4+$0x0], $0xffff;
	(pc) =	sbr.rel @p4 .LBB2_44-.Ltmp27, $4  }
0x158: {  	v10 =	vand.u32 $0xFFFFFC00, v12;
	s7 =	sadd.s32 $0x50, s7;
	s6 =	sshrl.u32 s6, $0x1;
	s8 =	smul.u32 s8, s11;
	v7 =	vor.u32 v9, v7;
	v9 =	vor.u32 v3, v13  }
0x159: {  	v5 =	vor.u32 v10, v5;
	v13 =	vadd.s32 s7, v0;
	s6 =	sadd.s32 $0x50, s6;
	s7 =	smul.u32 s11, s12;
	v7 =	vor.u32 v3, v7  }
0x15a: {  	s0 =	sadd.s32 $0x200, s0;
	v10 =	vor.u32 v3, v5;
	v14 =	vshll.u32 v13, $0x3;
	v12 =	vadd.s32 s6, v0;
	s8 =	sshrl.u32 s8, $0x1  }
0x15b: {  	v13 =	vand.u32 $0x7F, v13;
	v14 =	vand.u32 $0xFFFFFC00, v14;
	v5 =	vand.u32 $0x7F, v12;
	s6 =	sshrl.u32 s7, $0x1;
	s11 =	sadd.s32 $0x50, s8;
	[tilespmem:s0+$0x0] =	vst v16  }
.LBB2_45:
0x15c: {  	_ = 	snop  }
0x15d: {  	v15 =	vadd.s32 s11, v0  }
0x15e: {  	v13 =	vor.u32 v14, v13;
	v14 =	vshll.u32 v15, $0x3  }
0x15f: {  	v12 =	vshll.u32 v12, $0x3;
	s1 =	sadd.s32 $0x50, s6;
	v15 =	vand.u32 $0x7F, v15;
	v14 =	vand.u32 $0xFFFFFC00, v14  }
0x160: {  	v4 =	vld.idx.msk @p2 [tilespmem:v4+s4+$0x0], $0xffff;
	v12 =	vand.u32 $0xFFFFFC00, v12;
	v14 =	vor.u32 v14, v15;
	v15 =	vadd.s32 s1, v0  }
0x161: {  	v9 =	vld.idx.msk @p2 [tilespmem:v9+s4+$0x0], $0xffff;
	v13 =	vor.u32 v3, v13;
	v5 =	vor.u32 v12, v5;
	v12 =	vshll.u32 v15, $0x3  }
0x162: {  	v10 =	vld.idx.msk @p2 [tilespmem:v10+s4+$0x0], $0xffff;
	v5 =	vor.u32 v3, v5;
	v15 =	vand.u32 $0x7F, v15;
	v12 =	vand.u32 $0xFFFFFC00, v12  }
0x163: {  	[tilespmem:s0+$0xFFFFFE80] =	vst @p3 v6;
	v6 =	vld.idx.msk @p2 [tilespmem:v7+s4+$0x0], $0xffff;
	v14 =	vor.u32 v3, v14;
	v12 =	vor.u32 v12, v15  }
0x164: {  	[tilespmem:s0+$0xFFFFFF00] =	vst @p3 v11;
	s6 =	smov.u32 s26;
	s1 =	sadd.s32 @p3 $0x200, s0;
	v60 =	vor.u32 v3, v12  }
0x165: {  	[tilespmem:s0+$0xFFFFFF80] =	vst @p3 v8;
	s6 =	smov.u32 @p3 s1  }
0x166: {  	[tilespmem:s6+$0x0] =	vst @p2 v9;
	v4 =	vpsel p2, v4, v0;
	v62 =	vld.idx.msk [tilespmem:v13+s4+$0x0], $0xffff  }
0x167: {  	s28 =	simm.s32 $0x70;
	s29 =	simm.s32 $0x71;
	v10 =	vpsel p2, v10, v0;
	[tilespmem:s6+$0xFFFFFE80] =	vst @p2 v4;
	v4 =	vld.idx.msk [tilespmem:v5+s4+$0x0], $0xffff  }
0x168: {  	s8 =	simm.s32 $0x72;
	s0 =	smul.u32 s28, s29;
	s7 =	sadd.s32 @p2 $0x200, s6;
	[tilespmem:s6+$0xFFFFFF00] =	vst @p2 v10;
	v5 =	vpsel p2, v6, v0;
	v61 =	vld.idx.msk [tilespmem:v14+s4+$0x0], $0xffff  }
0x169: {  	s1 =	smul.u32 s8, s29;
	s26 =	smov.u32 @p2 s7;
	[tilespmem:s6+$0xFFFFFF80] =	vst @p2 v5;
	p2 =	por $0x1, $0x1;
	v63 =	vld.idx.msk [tilespmem:v60+s4+$0x0], $0xffff  }
.Ltmp28:
0x16a: {  	_ = 	snop;
	(pc) =	sbr.rel @!p2 .LBB2_46-.Ltmp28, $4  }
0x16b: {  	s30 =	simm.s32 $0x73;
	s31 =	simm.s32 $0x74;
	[tilespmem:s26+$0xFFFFFE80] =	vst v62  }
0x16c: {  	s0 =	sshrl.u32 s0, $0x1;
	s1 =	sshrl.u32 s1, $0x1;
	s7 =	smul.u32 s31, s30;
	[tilespmem:s26+$0xFFFFFF00] =	vst v4  }
0x16d: {  	s0 =	sadd.s32 $0x60, s0;
	s1 =	sadd.s32 $0x60, s1;
	[tilespmem:s26+$0x0] =	vst v61  }
0x16e: {  	v13 =	vadd.s32 s0, v0;
	v12 =	vadd.s32 s1, v0;
	s6 =	sshrl.u32 s7, $0x1;
	[tilespmem:s26+$0xFFFFFF80] =	vst v63;
	s26 =	smul.u32 s30, s8  }
0x16f: {  	v4 =	vand.u32 $0x7F, v13;
	v5 =	vshll.u32 v13, $0x3;
	v6 =	vand.u32 $0x7F, v12;
	s1 =	sadd.s32 $0x60, s6;
	s7 =	simm.s32 $0x75;
	s29 =	simm.s32 $0x76  }
0x170: {  	v7 =	vshll.u32 v12, $0x3;
	s0 =	sshrl.u32 s26, $0x1;
	s26 =	simm.s32 $0x74;
	v5 =	vand.u32 $0xFFFFFC00, v5;
	v8 =	vadd.s32 s1, v0;
	s30 =	smul.u32 s29, s7  }
0x171: {  	p3 =	por $0x1, $0x1;
	v9 =	vand.u32 $0xFFFFFC00, v7;
	s0 =	sadd.s32 $0x60, s0;
	s28 =	smul.u32 s26, s7;
	v10 =	vshll.u32 v8, $0x3;
	v8 =	vand.u32 $0x7F, v8  }
.Ltmp29:
0x172: {  	v4 =	vor.u32 v5, v4;
	v6 =	vor.u32 v9, v6;
	v7 =	vadd.s32 s0, v0;
	s0 =	sshrl.u32 s30, $0x1;
	(pc) =	sbr.rel @!p3 .LBB2_48-.Ltmp29, $4  }
0x173: {  	s31 =	simm.s32 $0x77;
	s8 =	simm.s32 $0x78;
	v10 =	vand.u32 $0xFFFFFC00, v10;
	v11 =	vshll.u32 v7, $0x3;
	v7 =	vand.u32 $0x7F, v7;
	s0 =	sadd.s32 $0x60, s0  }
0x174: {  	s8 =	smul.u32 s8, s31;
	v8 =	vor.u32 v10, v8;
	s1 =	sshrl.u32 s28, $0x1;
	v11 =	vand.u32 $0xFFFFFC00, v11;
	v12 =	vadd.s32 s0, v0  }
0x175: {  	s1 =	sadd.s32 $0x60, s1;
	v5 =	vor.u32 v11, v7;
	v7 =	vor.u32 v3, v8;
	v8 =	vor.u32 v3, v4  }
0x176: {  	p2 =	por $0x1, $0x1;
	s26 =	smul.u32 s31, s29;
	s6 =	sshrl.u32 s8, $0x1;
	v13 =	vadd.s32 s1, v0;
	v4 =	vor.u32 v3, v5;
	v5 =	vor.u32 v3, v6  }
0x177: {  	s6 =	sadd.s32 $0x60, s6  }
0x178: {  	v10 =	vand.u32 $0x7F, v13;
	v6 =	vshll.u32 v13, $0x3;
	v13 =	vand.u32 $0x7F, v12;
	s0 =	simm.s32 $0x78;
	s7 =	simm.s32 $0x79;
	s1 =	sshrl.u32 s26, $0x1  }
0x179: {  	s11 =	simm.s32 $0x7A;
	v11 =	vand.u32 $0xFFFFFC00, v6;
	v6 =	vshll.u32 v12, $0x3;
	v9 =	vadd.s32 s6, v0;
	s30 =	smul.u32 s0, s7;
	s8 =	sadd.s32 $0x60, s1  }
0x17a: {  	p3 =	por $0x1, $0x1;
	s7 =	smul.u32 s11, s7;
	s1 =	simm.s32 $0x0;
	v12 =	vand.u32 $0xFFFFFC00, v6;
	v15 =	vshll.u32 v9, $0x3;
	v14 =	vadd.s32 s8, v0  }
.Ltmp30:
0x17b: {  	s31 =	simm.s32 $0x7B;
	v16 =	vand.u32 $0x7F, v9;
	v6 =	vld.idx.msk [tilespmem:v7+s1+$0x0], $0xffff;
	v15 =	vand.u32 $0xFFFFFC00, v15;
	s6 =	sshrl.u32 s30, $0x1;
	v7 =	vshll.u32 v14, $0x3;
	(pc) =	sbr.rel @!p3 .LBB2_50-.Ltmp30, $4  }
0x17c: {  	s12 =	simm.s32 $0x7C;
	v9 =	vld.idx.msk [tilespmem:v8+s1+$0x0], $0xffff;
	s7 =	sshrl.u32 s7, $0x1;
	v8 =	vand.u32 $0x7F, v14;
	v14 =	vor.u32 v15, v16;
	v15 =	vor.u32 v11, v10;
	s6 =	sadd.s32 $0x60, s6  }
0x17d: {  	s12 =	smul.u32 s12, s31;
	v11 =	vld.idx.msk [tilespmem:v5+s1+$0x0], $0xffff;
	s7 =	sadd.s32 $0x60, s7;
	v5 =	vor.u32 v12, v13;
	v7 =	vand.u32 $0xFFFFFC00, v7;
	v13 =	vadd.s32 s6, v0  }
0x17e: {  	s26 =	smul.u32 s31, s11;
	v12 =	vadd.s32 s7, v0;
	v63 =	vor.u32 v7, v8;
	v7 =	vor.u32 v3, v14  }
0x17f: {  	p1 =	por $0x1, $0x1;
	s28 =	smov.u32 s25;
	v10 =	vld.idx.msk [tilespmem:v4+s1+$0x0], $0xffff;
	s6 =	sshrl.u32 s12, $0x1;
	v5 =	vor.u32 v3, v5;
	v8 =	vor.u32 v3, v15;
	v4 =	vor.u32 v3, v63  }
.LBB2_51:
0x180: {  	s7 =	sshrl.u32 s26, $0x1;
	s8 =	smov.u32 s0  }
0x181: {  	v14 =	vand.u32 $0x7F, v13;
	v13 =	vshll.u32 v13, $0x3;
	v15 =	vand.u32 $0x7F, v12;
	s6 =	sadd.s32 $0x60, s6;
	[tilespmem:s28+$0x0] =	vst v6;
	s0 =	sadd.s32 $0x4, s0;
	s11 =	sadd.s32 $0x5, s8  }
0x182: {  	v6 =	vshll.u32 v12, $0x3;
	v13 =	vand.u32 $0xFFFFFC00, v13;
	s7 =	sadd.s32 $0x60, s7;
	v12 =	vadd.s32 s6, v0;
	[tilespmem:s28+$0xFFFFFE80] =	vst v9;
	s12 =	sadd.s32 $0x6, s8;
	s6 =	smul.u32 s0, s11  }
0x183: {  	v16 =	vand.u32 $0xFFFFFC00, v6;
	p3 =	slt.u32 s0, $0x7C;
	v17 =	vadd.s32 s7, v0;
	v9 =	vshll.u32 v12, $0x3;
	v6 =	vld.idx.msk [tilespmem:v7+s1+$0x0], $0xffff;
	[tilespmem:s28+$0xFFFFFF00] =	vst v11;
	s7 =	smul.u32 s12, s11  }
.Ltmp31:
0x184: {  	v11 =	vand.u32 $0x7F, v12;
	v7 =	vshll.u32 v17, $0x3;
	v12 =	vand.u32 $0xFFFFFC00, v9;
	v9 =	vld.idx.msk [tilespmem:v8+s1+$0x0], $0xffff;
	[tilespmem:s28+$0xFFFFFF80] =	vst v10;
	(pc) =	sbr.rel @p3 .LBB2_51-.Ltmp31, $4  }
0x185: {  	s11 =	sadd.s32 $0x7, s8;
	s8 =	sadd.s32 $0x8, s8;
	v8 =	vand.u32 $0x7F, v17;
	v7 =	vand.u32 $0xFFFFFC00, v7;
	v10 =	vor.u32 v12, v11;
	v11 =	vld.idx.msk [tilespmem:v5+s1+$0x0], $0xffff  }
0x186: {  	s8 =	smul.u32 s8, s11;
	s6 =	sshrl.u32 s6, $0x1;
	s7 =	sshrl.u32 s7, $0x1;
	v5 =	vor.u32 v13, v14;
	v12 =	vor.u32 v7, v8;
	v7 =	vor.u32 v3, v10;
	v10 =	vld.idx.msk [tilespmem:v4+s1+$0x0], $0xffff  }
0x187: {  	s26 =	smul.u32 s11, s12;
	s6 =	sadd.s32 $0x60, s6;
	s7 =	sadd.s32 $0x60, s7;
	v8 =	vor.u32 v3, v5;
	v5 =	vor.u32 v16, v15;
	v4 =	vor.u32 v3, v12  }
0x188: {  	s28 =	sadd.s32 $0x200, s28;
	v13 =	vadd.s32 s6, v0;
	v12 =	vadd.s32 s7, v0;
	s6 =	sshrl.u32 s8, $0x1;
	v5 =	vor.u32 v3, v5  }
.LBB2_52:
0x189: {  	s0 =	sadd.s32 $0x60, s6  }
0x18a: {  	v14 =	vadd.s32 s0, v0  }
0x18b: {  	v16 =	vand.u32 $0x7F, v13;
	v13 =	vshll.u32 v13, $0x3;
	v15 =	vshll.u32 v14, $0x3  }
0x18c: {  	s12 =	sshrl.u32 s26, $0x1;
	v13 =	vand.u32 $0xFFFFFC00, v13;
	v14 =	vand.u32 $0x7F, v14;
	v15 =	vand.u32 $0xFFFFFC00, v15  }
0x18d: {  	s1 =	simm.s32 @p2 $0x0;
	s0 =	sadd.s32 $0x60, s12;
	v14 =	vor.u32 v15, v14;
	v15 =	vand.u32 $0x7F, v12;
	v12 =	vshll.u32 v12, $0x3  }
0x18e: {  	v7 =	vld.idx.msk @p2 [tilespmem:v7+s1+$0x0], $0xffff;
	v13 =	vor.u32 v13, v16;
	v16 =	vadd.s32 s0, v0;
	v12 =	vand.u32 $0xFFFFFC00, v12  }
0x18f: {  	v13 =	vor.u32 v3, v13;
	v12 =	vor.u32 v12, v15;
	v15 =	vshll.u32 v16, $0x3  }
0x190: {  	v8 =	vld.idx.msk @p2 [tilespmem:v8+s1+$0x0], $0xffff;
	v14 =	vor.u32 v3, v14;
	v16 =	vand.u32 $0x7F, v16;
	v15 =	vand.u32 $0xFFFFFC00, v15  }
0x191: {  	[tilespmem:s28+$0x0] =	vst @p1 v6;
	v5 =	vld.idx.msk @p2 [tilespmem:v5+s1+$0x0], $0xffff;
	v12 =	vor.u32 v3, v12;
	v6 =	vor.u32 v15, v16  }
0x192: {  	v4 =	vld.idx.msk @p2 [tilespmem:v4+s1+$0x0], $0xffff;
	s1 =	smov.u32 s25;
	s0 =	sadd.s32 @p1 $0x200, s28;
	v6 =	vor.u32 v3, v6  }
0x193: {  	s26 =	simm.s32 $0x0;
	s1 =	smov.u32 @p1 s0;
	v7 =	vpsel p2, v7, v0  }
0x194: {  	[tilespmem:s1+$0x0] =	vst @p2 v7;
	v7 =	vld.idx.msk [tilespmem:v13+s26+$0x0], $0xffff  }
0x195: {  	[tilespmem:s28+$0xFFFFFE80] =	vst @p1 v9;
	v8 =	vpsel p2, v8, v0;
	v9 =	vld.idx.msk [tilespmem:v14+s26+$0x0], $0xffff  }
0x196: {  	v5 =	vpsel p2, v5, v0;
	[tilespmem:s1+$0xFFFFFE80] =	vst @p2 v8;
	v8 =	vld.idx.msk [tilespmem:v12+s26+$0x0], $0xffff  }
0x197: {  	s0 =	sadd.s32 @p2 $0x200, s1;
	v4 =	vpsel p2, v4, v0;
	[tilespmem:s1+$0xFFFFFF00] =	vst @p2 v5;
	v5 =	vld.idx.msk [tilespmem:v6+s26+$0x0], $0xffff  }
0x198: {  	s25 =	smov.u32 @p2 s0;
	[tilespmem:s1+$0xFFFFFF80] =	vst @p2 v4  }
0x199: {  	[tilespmem:s25+$0xFFFFFE80] =	vst v7  }
0x19a: {  	s7 =	simm.s32 $0x3;
	s8 =	simm.s32 $0x4;
	[tilespmem:s25+$0x0] =	vst v9  }
0x19b: {  	s11 =	simm.s32 $0x2;
	s8 =	smul.u32 s8, s7;
	[tilespmem:s25+$0xFFFFFF00] =	vst v8  }
0x19c: {  	s30 =	smul.u32 s7, s11;
	s1 =	simm.s32 $0x1;
	[tilespmem:s25+$0xFFFFFF80] =	vst v5;
	s25 =	simm.s32 $0x0  }
0x19d: {  	s29 =	smul.u32 s25, s1  }
0x19e: {  	s7 =	sand.u32 $0xF, s7;
	s31 =	sand.u32 $0xE, s11;
	s8 =	sshrl.u32 s8, $0x1  }
0x19f: {  	s12 =	sand.u32 $0x70, s25;
	s0 =	sand.u32 $0xC, s25;
	s6 =	sshrl.u32 s29, $0x1  }
0x1a0: {  	v4 =	vmov s31;
	v14 =	vmov s7;
	s25 =	sshrl.u32 s30, $0x1;
	s30 =	sadd.s32 s12, s8;
	s6 =	sadd.s32 s12, s6  }
0x1a1: {  	[tilespmem:s28+$0xFFFFFF00] =	vst @p1 v11;
	p2 =	por $0x1, $0x1;
	s11 =	smul.u32 s11, s1;
	v11 =	vmov s0;
	s29 =	sadd.s32 s12, s25;
	v8 =	vadd.s32 s30, v0;
	v5 =	vadd.s32 s6, v0  }
.Ltmp32:
0x1a2: {  	v7 =	vadd.s32 s29, v0;
	v6 =	vand.u32 $0x7F, v5;
	v5 =	vshll.u32 v5, $0x3;
	(pc) =	sbr.rel @!p2 .LBB2_53-.Ltmp32, $4  }
0x1a3: {  	s31 =	sshrl.u32 s11, $0x1;
	v12 =	vand.u32 $0x7F, v8;
	v15 =	vshll.u32 v8, $0x3;
	v5 =	vand.u32 $0xFFFFFC00, v5  }
0x1a4: {  	[tilespmem:s28+$0xFFFFFF80] =	vst @p1 v10;
	s0 =	sadd.s32 s12, s31;
	v9 =	vshll.u32 v7, $0x3;
	v10 =	vand.u32 $0x7F, v7;
	v5 =	vor.u32 v5, v6  }
0x1a5: {  	v20 =	vand.u32 $0xFFFFFC00, v15;
	v8 =	vor.u32 v3, v5;
	v5 =	vadd.s32 s0, v0  }
0x1a6: {  	p1 =	por $0x0, $0x0;
	s28 =	sand.u32 $0xD, s1;
	v16 =	vand.u32 $0xFFFFFC00, v9;
	v13 =	vand.u32 $0x7F, v5;
	v19 =	vshll.u32 v5, $0x3  }
0x1a7: {  	s25 =	simm.s32 $0x4;
	s1 =	simm.s32 $0x5;
	s0 =	simm.s32 $0x6  }
0x1a8: {  	v5 =	vmov s28;
	s7 =	simm.s32 $0x7;
	s8 =	simm.s32 $0x8;
	s6 =	smul.u32 s25, s1  }
0x1a9: {  	v6 =	vor.u32 v20, v12;
	v7 =	vand.u32 $0xFFFFFC00, v19;
	v9 =	vor.u32 v16, v10;
	s11 =	sand.u32 $0xC, s25;
	s8 =	smul.u32 s8, s7;
	s12 =	sand.u32 $0xF, s7  }
0x1aa: {  	vm0 =	vgt.u32 v14, v0;
	vm1 =	vgt.u32 v11, v0;
	v10 =	vor.u32 v3, v6;
	s28 =	sand.u32 $0x70, s25;
	s7 =	smul.u32 s7, s0;
	s6 =	sshrl.u32 s6, $0x1  }
0x1ab: {  	v12 =	vor.u32 v7, v13;
	v13 =	vor.u32 v3, v9;
	v6 =	vmov s11;
	s29 =	sshrl.u32 s8, $0x1;
	s6 =	sadd.s32 s28, s6  }
0x1ac: {  	v8 =	vld.idx.msk [tilespmem:v8+s4+$0x0], $0xffff;
	s31 =	sand.u32 $0xE, s0;
	v7 =	vmov s12;
	v18 =	vor.u32 v3, v12;
	s12 =	sshrl.u32 s7, $0x1;
	s7 =	sadd.s32 s28, s29;
	v12 =	vadd.s32 s6, v0  }
0x1ad: {  	p2 =	por $0x1, $0x1;
	s0 =	smul.u32 s0, s1;
	v9 =	vmov s31;
	s6 =	sadd.s32 s28, s12;
	v15 =	vadd.s32 s7, v0;
	v14 =	vand.u32 $0x7F, v12  }
.Ltmp33:
0x1ae: {  	v12 =	vshll.u32 v12, $0x3;
	v16 =	vadd.s32 s6, v0;
	v20 =	vshll.u32 v15, $0x3;
	(pc) =	sbr.rel @!p2 .LBB2_55-.Ltmp33, $4  }
0x1af: {  	s0 =	sshrl.u32 s0, $0x1;
	v11 =	vand.u32 $0xFFFFFC00, v12;
	v19 =	vshll.u32 v16, $0x3;
	v12 =	vand.u32 $0x7F, v15;
	v15 =	vld.idx.msk [tilespmem:v10+s4+$0x0], $0xffff  }
0x1b0: {  	s31 =	sand.u32 $0x3FFFFFF0, s26;
	s30 =	sadd.s32 s28, s0;
	v10 =	vand.u32 $0x7F, v16;
	v20 =	vand.u32 $0xFFFFFC00, v20;
	v11 =	vor.u32 v11, v14  }
0x1b1: {  	p1 =	por $0x1, $0x1;
	s0 =	sadd.s32 s31, s23;
	v17 =	vld.idx.msk [tilespmem:v13+s4+$0x0], $0xffff;
	v14 =	vnsel vm1, $0x0, v8;
	v8 =	vor.u32 v3, v11;
	v11 =	vadd.s32 s30, v0  }
0x1b2: {  	s26 =	simm.s32 $0x4;
	s23 =	sadd.s32 $0x200, s23;
	s28 =	sand.u32 $0xD, s1;
	v18 =	vld.idx.msk [tilespmem:v18+s4+$0x0], $0xffff;
	v16 =	vand.u32 $0xFFFFFC00, v19;
	[tilespmem:s0+$0x0] =	vst v14;
	v13 =	vand.u32 $0x7F, v11;
	v19 =	vshll.u32 v11, $0x3  }
.LBB2_56:
0x1b3: {  	s1 =	sadd.s32 $0x5, s25  }
0x1b4: {  	s6 =	sadd.s32 $0x6, s25;
	v11 =	vmov s28;
	v12 =	vor.u32 v20, v12;
	v14 =	vnsel vm0, $0x0, v15;
	s7 =	smov.u32 s25;
	s25 =	sadd.s32 $0x4, s25  }
0x1b5: {  	vm0 =	vgt.u32 v5, v0;
	vm1 =	vgt.u32 v4, v0;
	s8 =	smul.u32 s25, s1;
	s11 =	sadd.s32 $0x7, s7;
	s7 =	sadd.s32 $0x8, s7;
	v12 =	vor.u32 v3, v12;
	[tilespmem:s0+$0x180] =	vst v14  }
0x1b6: {  	v10 =	vor.u32 v16, v10;
	v4 =	vmovc v9;
	s12 =	sand.u32 $0xC, s25;
	v14 =	vand.u32 $0xFFFFFC00, v19;
	v15 =	vnsel vm1, $0x0, v17;
	v5 =	vmovc v11;
	s7 =	smul.u32 s7, s11;
	s28 =	sand.u32 $0xF, s11  }
0x1b7: {  	s29 =	sand.u32 $0x70, s25;
	v10 =	vor.u32 v3, v10;
	s11 =	smul.u32 s11, s6;
	v9 =	vor.u32 v14, v13;
	v11 =	vnsel vm0, $0x0, v18;
	s8 =	sshrl.u32 s8, $0x1;
	v8 =	vld.idx.msk [tilespmem:v8+s4+$0x0], $0xffff;
	[tilespmem:s0+$0x100] =	vst v15  }
0x1b8: {  	v13 =	vmov s12;
	s12 =	smul.u32 s6, s1;
	s6 =	sand.u32 $0xE, s6;
	v14 =	vmov s28;
	v16 =	vor.u32 v3, v9;
	s8 =	sadd.s32 s29, s8;
	[tilespmem:s0+$0x80] =	vst v11  }
0x1b9: {  	p2 =	slt.u32 s25, $0x7C;
	vm0 =	vgt.u32 v7, v0;
	v9 =	vmov s6;
	s0 =	sshrl.u32 s11, $0x1;
	s6 =	sshrl.u32 s7, $0x1;
	v7 =	vmovc v14;
	v11 =	vadd.s32 s8, v0  }
0x1ba: {  	vm1 =	vgt.u32 v6, v0;
	v6 =	vmovc v13;
	s7 =	sshrl.u32 s12, $0x1;
	s0 =	sadd.s32 s29, s0;
	s6 =	sadd.s32 s29, s6;
	v14 =	vand.u32 $0x7F, v11;
	v11 =	vshll.u32 v11, $0x3;
	v15 =	vld.idx.msk [tilespmem:v12+s4+$0x0], $0xffff  }
.Ltmp34:
0x1bb: {  	s7 =	sadd.s32 s29, s7;
	v13 =	vadd.s32 s0, v0;
	v17 =	vadd.s32 s6, v0;
	v11 =	vand.u32 $0xFFFFFC00, v11;
	(pc) =	sbr.rel @p2 .LBB2_56-.Ltmp34, $4  }
0x1bc: {  	s0 =	sand.u32 $0x3FFFFFF0, s26;
	v19 =	vshll.u32 v13, $0x3;
	v12 =	vand.u32 $0x7F, v17;
	v20 =	vshll.u32 v17, $0x3;
	v17 =	vld.idx.msk [tilespmem:v10+s4+$0x0], $0xffff  }
0x1bd: {  	s0 =	sadd.s32 s0, s23;
	v11 =	vor.u32 v11, v14;
	v10 =	vand.u32 $0x7F, v13;
	v13 =	vnsel vm1, $0x0, v8;
	v18 =	vld.idx.msk [tilespmem:v16+s4+$0x0], $0xffff  }
0x1be: {  	v8 =	vor.u32 v3, v11;
	v11 =	vadd.s32 s7, v0;
	v16 =	vand.u32 $0xFFFFFC00, v19;
	[tilespmem:s0+$0x0] =	vst v13  }
0x1bf: {  	s28 =	sand.u32 $0xD, s1;
	s26 =	sadd.s32 $0x4, s26;
	s23 =	sadd.s32 $0x200, s23;
	v20 =	vand.u32 $0xFFFFFC00, v20;
	v13 =	vand.u32 $0x7F, v11;
	v19 =	vshll.u32 v11, $0x3  }
0x1c0: {  	v21 =	vmovc v4;
	v4 =	vmov v9;
	v14 =	vmov v7;
	v11 =	vmov v6  }
.LBB2_58:
0x1c1: {  	v6 =	vor.u32 v20, v12;
	v7 =	vand.u32 $0xFFFFFC00, v19  }
0x1c2: {  	v6 =	vor.u32 v3, v6;
	v7 =	vor.u32 v7, v13  }
0x1c3: {  	v7 =	vor.u32 v3, v7;
	_ =	sdelay $0x2  }
0x1c4: {  	v8 =	vld.idx.msk [tilespmem:v8+s4+$0x0], $0xffff  }
0x1c5: {  	v6 =	vld.idx.msk [tilespmem:v6+s4+$0x0], $0xffff  }
0x1c6: {  	v7 =	vld.idx.msk [tilespmem:v7+s4+$0x0], $0xffff  }
0x1c7: {  	v9 =	vor.u32 v16, v10;
	v10 =	vnsel @p1 vm0, $0x0, v15;
	vm0 =	vgt.u32 @p1 v21, v0  }
0x1c8: {  	vm1 =	vgt.u32 @p1 v5, v0;
	vm12 =	vgt.u32 v11, v0;
	s1 =	sand.u32 $0x3FFFFFF0, s26;
	v5 =	vnsel @p1 vm0, $0x0, v17  }
0x1c9: {  	vm13 =	vgt.u32 v14, v0;
	s23 =	sadd.s32 s1, s23;
	[tilespmem:s0+$0x100] =	vst @p1 v5;
	v5 =	vnsel vm12, $0x0, v8;
	v8 =	vmov s28  }
0x1ca: {  	[tilespmem:s23+$0x0] =	vst v5;
	vm15 =	vgt.u32 v8, v0;
	v5 =	vnsel vm13, $0x0, v6  }
0x1cb: {  	s26 =	simm.s32 $0x0;
	v9 =	vor.u32 v3, v9;
	[tilespmem:s23+$0x180] =	vst v5;
	v5 =	vnsel vm15, $0x0, v7  }
0x1cc: {  	v14 =	vor.u32 s26, v0;
	[tilespmem:s23+$0x80] =	vst v5;
	v5 =	vor.u32 s26, v2  }
0x1cd: {  	v5 =	vmul.u32 v5, v14;
	_ =	sdelay $0x1  }
0x1ce: {  	v6 =	vshrl.u32 v5, $0x1;
	v5 =	vshll.u32 v5, $0x2  }
0x1cf: {  	v9 =	vld.idx.msk [tilespmem:v9+s4+$0x0], $0xffff;
	v6 =	vand.u32 $0x7F, v6;
	v5 =	vand.u32 $0x7FFFFC00, v5  }
0x1d0: {  	s25 =	simm.s32 $0x10;
	v5 =	vor.u32 v5, v6  }
0x1d1: {  	v8 =	vor.u32 s25, v0;
	v6 =	vadd.s32 s25, v2;
	v5 =	vor.u32 v3, v5  }
0x1d2: {  	v6 =	vmul.u32 v6, v8  }
0x1d3: {  	vm14 =	vgt.u32 v4, v0;
	[tilespmem:s0+$0x180] =	vst @p1 v10;
	v10 =	vnsel @p1 vm1, $0x0, v18  }
0x1d4: {  	[tilespmem:s0+$0x80] =	vst @p1 v10;
	v4 =	vnsel vm14, $0x0, v9;
	v7 =	vshrl.u32 v6, $0x1;
	v6 =	vshll.u32 v6, $0x2  }
0x1d5: {  	[tilespmem:s23+$0x100] =	vst v4;
	v7 =	vand.u32 $0x7F, v7;
	v6 =	vand.u32 $0x7FFFFC00, v6  }
0x1d6: {  	v22 =	vld.idx.msk [tilespmem:v5+s4+$0x0], $0xffff;
	v5 =	vor.u32 v6, v7  }
0x1d7: {  	v5 =	vor.u32 v3, v5;
	_ =	sdelay $0x3  }
0x1d8: {  	v6 =	vand.u32 $0x7FFFFFFF, v22  }
0x1d9: {  	v6 =	vsub.f32 $0.0e+00, v6;
	v9 =	vld.idx.msk [tilespmem:v5+s4+$0x0], $0xffff;
	_ =	sdelay $0x1  }
0x1da: {  	v5 =	vmul.f32 $1.442695020e+00, v6;
	_ =	sdelay $0x1  }
0x1db: {  	(erf) = vpow2.f32 v5  }
0x1dc: {  	s28 =	simm.s32 $0x20;
	v5 =	vand.u32 $0x7FFFFFFF, v9  }
0x1dd: {  	v7 =	vor.u32 s28, v2;
	v6 =	vsub.f32 $0.0e+00, v5;
	v5 =	vor.u32 s28, v0  }
0x1de: {  	v7 =	vmul.u32 v7, v5;
	_ =	sdelay $0x1  }
0x1df: {  	v6 =	vmul.f32 $1.442695020e+00, v6;
	v11 =	vshrl.u32 v7, $0x1;
	v7 =	vshll.u32 v7, $0x2  }
0x1e0: {  	v11 =	vand.u32 $0x7F, v11;
	v7 =	vand.u32 $0x7FFFFC00, v7  }
0x1e1: {  	s29 =	simm.s32 $0x30;
	(erf) = vpow2.f32 v6;
	v6 =	vor.u32 v7, v11  }
0x1e2: {  	v12 =	vadd.s32 s29, v2;
	v10 =	vor.u32 s29, v0;
	v6 =	vor.u32 v3, v6  }
0x1e3: {  	v12 =	vmul.u32 v12, v10;
	v7 =	vpop (erf)  }
0x1e4: {  	v13 =	vadd.f32 $2.000000000e+00, v7  }
0x1e5: {  	v11 =	vshrl.u32 v12, $0x1;
	v12 =	vshll.u32 v12, $0x2  }
0x1e6: {  	v11 =	vand.u32 $0x7F, v11;
	v12 =	vand.u32 $0x7FFFFC00, v12;
	(erf) = vrcp.f32 v13  }
0x1e7: {  	v11 =	vor.u32 v12, v11;
	v6 =	vld.idx.msk [tilespmem:v6+s4+$0x0], $0xffff  }
0x1e8: {  	v11 =	vor.u32 v3, v11;
	_ =	sdelay $0x2  }
0x1e9: {  	v12 =	vpop (erf)  }
0x1ea: {  	v13 =	vadd.f32 $2.000000000e+00, v12;
	v15 =	vand.u32 $0x7FFFFFFF, v6  }
0x1eb: {  	v11 =	vld.idx.msk [tilespmem:v11+s4+$0x0], $0xffff  }
0x1ec: {  	(erf) = vrcp.f32 v13;
	v13 =	vsub.f32 $0.0e+00, v15  }
0x1ed: {  	v15 =	vpop (erf)  }
0x1ee: {  	s30 =	simm.s32 $0x50;
	v13 =	vmul.f32 $1.442695020e+00, v13;
	v17 =	vmul.f32 v15, v7  }
0x1ef: {  	v16 =	vor.u32 s30, v0  }
0x1f0: {  	s31 =	simm.s32 $0x40;
	v7 =	vand.u32 $0x7FFFFFFF, v11;
	(erf) = vpow2.f32 v13;
	v18 =	vmul.f32 v17, v17  }
0x1f1: {  	v15 =	vsub.f32 $0.0e+00, v7;
	v7 =	vor.u32 s31, v0;
	v13 =	vor.u32 s31, v2  }
0x1f2: {  	v19 =	vadd.s32 s30, v2;
	v13 =	vmul.u32 v13, v7;
	v20 =	vmul.f32 $9.090909360e-02, v18  }
0x1f3: {  	v19 =	vmul.u32 v19, v16;
	v15 =	vmul.f32 $1.442695020e+00, v15  }
0x1f4: {  	v21 =	vshrl.u32 v13, $0x1;
	v13 =	vshll.u32 v13, $0x2;
	v20 =	vadd.f32 $1.111111120e-01, v20  }
0x1f5: {  	v23 =	vpop (erf);
	(erf) = vpow2.f32 v15;
	v15 =	vand.u32 $0x7F, v21;
	v13 =	vand.u32 $0x7FFFFC00, v13  }
0x1f6: {  	v21 =	vmul.f32 v23, v12;
	v12 =	vor.u32 v13, v15;
	v13 =	vmul.f32 v20, v18;
	_ =	sdelay $0x1  }
0x1f7: {  	v15 =	vshrl.u32 v19, $0x1;
	v13 =	vadd.f32 $1.428571490e-01, v13  }
0x1f8: {  	v19 =	vshll.u32 v19, $0x2;
	v20 =	vor.u32 v3, v12;
	v12 =	vand.u32 $0x7F, v15;
	v24 =	vpop (erf)  }
0x1f9: {  	v15 =	vand.u32 $0x7FFFFC00, v19;
	v19 =	vadd.f32 $2.000000000e+00, v24;
	v13 =	vmul.f32 v13, v18  }
0x1fa: {  	v15 =	vor.u32 v15, v12  }
0x1fb: {  	v12 =	vmul.f32 v21, v21;
	(erf) = vrcp.f32 v19;
	v19 =	vadd.f32 $2.000000030e-01, v13;
	_ =	sdelay $0x1  }
0x1fc: {  	v15 =	vor.u32 v3, v15;
	v23 =	vmul.f32 $9.090909360e-02, v12  }
0x1fd: {  	v26 =	vmul.u32 $0x81, v10;
	v25 =	vmul.u32 $0x81, v8  }
0x1fe: {  	v4 =	vmov s24;
	v8 =	vld.idx.msk [tilespmem:v20+s4+$0x0], $0xffff;
	v20 =	vadd.f32 $1.111111120e-01, v23;
	v23 =	vmul.f32 v19, v18;
	v19 =	vpop (erf)  }
0x1ff: {  	v13 =	vmax.f32 v9, $0.0e+00;
	v9 =	vadd.s32 v4, v26;
	v26 =	vadd.f32 $2.000000000e+00, v19;
	_ =	sdelay $0x1  }
0x200: {  	v16 =	vmul.u32 $0x81, v16;
	v10 =	vadd.s32 v4, v25;
	v25 =	vld.idx.msk [tilespmem:v15+s4+$0x0], $0xffff;
	(erf) = vrcp.f32 v26  }
0x201: {  	v20 =	vmul.f32 v20, v12;
	v23 =	vadd.f32 $3.333333430e-01, v23  }
0x202: {  	v16 =	vadd.s32 v4, v16;
	v14 =	vmul.u32 $0x81, v14;
	v15 =	vadd.f32 v21, v21  }
0x203: {  	v20 =	vadd.f32 $1.428571490e-01, v20;
	v21 =	vand.u32 $0x7FFFFFFF, v8;
	v18 =	vmul.f32 v23, v18  }
0x204: {  	v22 =	vmax.f32 v22, $0.0e+00;
	v28 =	vadd.f32 v17, v17;
	v21 =	vsub.f32 $0.0e+00, v21  }
0x205: {  	v20 =	vmul.f32 v20, v12;
	v26 =	vand.u32 $0x7FFFFFFF, v25;
	v27 =	vadd.f32 $1.000000000e+00, v18  }
0x206: {  	v23 =	vmul.f32 $1.442695020e+00, v21;
	v26 =	vsub.f32 $0.0e+00, v26;
	v17 =	vpop (erf);
	v18 =	vadd.s32 v4, v14  }
0x207: {  	v11 =	vmax.f32 v11, $0.0e+00;
	v17 =	vmul.f32 v17, v24;
	v21 =	vmul.f32 v27, v28  }
0x208: {  	s24 =	simm.s32 $0x70;
	s23 =	simm.s32 $0x4;
	v20 =	vadd.f32 $2.000000030e-01, v20;
	v14 =	vmax.f32 v25, $0.0e+00;
	v24 =	vmul.f32 $1.442695020e+00, v26  }
.LBB2_59:
0x209: {  	s0 =	sadd.s32 $0xFFFFFFF0, s24;
	(erf) = vpow2.f32 v23;
	v23 =	vmul.f32 v17, v17;
	v25 =	vpop (erf);
	v21 =	vadd.f32 v21, v22  }
0x20a: {  	v27 =	vor.u32 s24, v0;
	s23 =	sadd.s32 $0x2, s23;
	v28 =	vmovc v16;
	v22 =	vor.u32 s0, v0;
	v26 =	vor.u32 s0, v2  }
0x20b: {  	p1 =	slt.u32 s23, $0x6;
	v16 =	vmul.u32 v26, v22;
	v26 =	vadd.s32 s24, v2;
	v29 =	vmul.f32 $9.090909360e-02, v23;
	[tilespmem:v18+s10+$0x0] =	vst.idx.msk $0xffff, v21  }
0x20c: {  	v19 =	vmul.f32 v25, v19;
	v18 =	vmul.u32 v26, v27;
	(erf) = vpow2.f32 v24  }
0x20d: {  	v21 =	vshrl.u32 v16, $0x1;
	v16 =	vshll.u32 v16, $0x2;
	v24 =	vadd.f32 $1.111111120e-01, v29  }
0x20e: {  	v21 =	vand.u32 $0x7F, v21;
	v16 =	vand.u32 $0x7FFFFC00, v16;
	v25 =	vshrl.u32 v18, $0x1  }
0x20f: {  	v18 =	vshll.u32 v18, $0x2;
	v16 =	vor.u32 v16, v21;
	v21 =	vmul.f32 v24, v23  }
0x210: {  	v24 =	vand.u32 $0x7F, v25;
	v18 =	vand.u32 $0x7FFFFC00, v18;
	v16 =	vor.u32 v3, v16  }
0x211: {  	v18 =	vor.u32 v18, v24;
	v24 =	vmul.f32 v19, v19;
	v21 =	vadd.f32 $1.428571490e-01, v21  }
0x212: {  	v32 =	vmul.f32 v20, v12;
	v26 =	vadd.f32 v19, v19;
	v18 =	vor.u32 v3, v18;
	v25 =	vpop (erf)  }
0x213: {  	v29 =	vmul.f32 $9.090909360e-02, v24;
	v20 =	vadd.f32 $2.000000000e+00, v25;
	v21 =	vmul.f32 v21, v23  }
0x214: {  	v30 =	vadd.f32 $3.333333430e-01, v32;
	v27 =	vmul.u32 $0x81, v27  }
0x215: {  	v31 =	vld.idx.msk [tilespmem:v16+s4+$0x0], $0xffff;
	(erf) = vrcp.f32 v20;
	v19 =	vpop (erf);
	v20 =	vadd.f32 $2.000000030e-01, v21;
	v21 =	vadd.f32 $1.111111120e-01, v29  }
0x216: {  	v16 =	vadd.s32 v4, v27;
	v29 =	vmul.f32 v30, v12;
	v12 =	vmovc v24;
	v27 =	vadd.f32 $2.000000000e+00, v19  }
0x217: {  	v30 =	vld.idx.msk [tilespmem:v18+s4+$0x0], $0xffff;
	v18 =	vmul.f32 v20, v23;
	v20 =	vmul.f32 v21, v12  }
0x218: {  	v21 =	vadd.f32 $1.000000000e+00, v29;
	(erf) = vrcp.f32 v27  }
0x219: {  	v18 =	vadd.f32 $3.333333430e-01, v18;
	v20 =	vadd.f32 $1.428571490e-01, v20  }
0x21a: {  	v21 =	vmul.f32 v21, v15;
	v15 =	vmov v26  }
0x21b: {  	v24 =	vand.u32 $0x7FFFFFFF, v31;
	v18 =	vmul.f32 v18, v23;
	v20 =	vmul.f32 v20, v12  }
.Ltmp35:
0x21c: {  	v23 =	vsub.f32 $0.0e+00, v24;
	v24 =	vmul.u32 $0x81, v5;
	v21 =	vadd.f32 v21, v13;
	v5 =	vmovc v7;
	v7 =	vmovc v22;
	(pc) =	sbr.rel @p1 .LBB2_59-.Ltmp35, $4  }
0x21d: {  	v27 =	vadd.f32 v17, v17;
	v13 =	vmovc v11;
	v11 =	vmovc v14;
	v22 =	vand.u32 $0x7FFFFFFF, v30;
	v26 =	vadd.f32 $1.000000000e+00, v18  }
0x21e: {  	v23 =	vmul.f32 $1.442695020e+00, v23;
	v14 =	vsub.f32 $0.0e+00, v22;
	v18 =	vadd.s32 v4, v24;
	v17 =	vpop (erf);
	[tilespmem:v10+s10+$0x0] =	vst.idx.msk $0xffff, v21  }
0x21f: {  	v20 =	vadd.f32 $2.000000030e-01, v20;
	v10 =	vmovc v9;
	v9 =	vmovc v28;
	v17 =	vmul.f32 v17, v25;
	v21 =	vmul.f32 v26, v27  }
0x220: {  	s24 =	sadd.s32 $0x20, s24;
	v22 =	vmax.f32 v6, $0.0e+00;
	v6 =	vmovc v8;
	v8 =	vmovc v31;
	v24 =	vmul.f32 $1.442695020e+00, v14;
	v14 =	vmax.f32 v30, $0.0e+00  }
0x221: {  	(erf) = vpow2.f32 v23  }
0x222: {  	(erf) = vpow2.f32 v24;
	_ =	sdelay $0x6  }
0x223: {  	v3 =	vpop (erf)  }
0x224: {  	v23 =	vpop (erf)  }
0x225: {  	v41 =	vadd.f32 $2.000000000e+00, v23;
	v25 =	vpop (erf)  }
0x226: {  	v26 =	vadd.f32 $2.000000000e+00, v25  }
0x227: {  	(erf) = vrcp.f32 v41  }
0x228: {  	(erf) = vrcp.f32 v26;
	_ =	sdelay $0x7  }
0x229: {  	v3 =	vmul.f32 v3, v19;
	v44 =	vpop (erf)  }
0x22a: {  	v42 =	vmul.f32 v17, v17;
	v23 =	vmul.f32 v44, v23;
	v45 =	vpop (erf)  }
0x22b: {  	v27 =	vmul.f32 v3, v3;
	v25 =	vmul.f32 v45, v25  }
0x22c: {  	v43 =	vmul.f32 $9.090909360e-02, v42;
	v28 =	vmul.f32 v23, v23  }
0x22d: {  	v46 =	vmul.f32 $9.090909360e-02, v27;
	v29 =	vmul.f32 v25, v25  }
0x22e: {  	v19 =	vadd.f32 $1.111111120e-01, v43;
	v30 =	vmul.f32 $9.090909360e-02, v28  }
0x22f: {  	v26 =	vadd.f32 $1.111111120e-01, v46;
	v31 =	vmul.f32 $9.090909360e-02, v29  }
0x230: {  	v19 =	vmul.f32 v19, v42;
	v30 =	vadd.f32 $1.111111120e-01, v30  }
0x231: {  	v26 =	vmul.f32 v26, v27;
	v31 =	vadd.f32 $1.111111120e-01, v31  }
0x232: {  	v20 =	vmul.f32 v20, v12;
	v19 =	vadd.f32 $1.428571490e-01, v19;
	v30 =	vmul.f32 v30, v28  }
0x233: {  	v21 =	vadd.f32 v21, v22;
	v26 =	vadd.f32 $1.428571490e-01, v26;
	v31 =	vmul.f32 v31, v29  }
0x234: {  	v5 =	vmul.u32 $0x81, v5;
	v19 =	vmul.f32 v19, v42;
	v49 =	vadd.f32 $1.428571490e-01, v30  }
0x235: {  	v20 =	vadd.f32 $3.333333430e-01, v20;
	v48 =	vmul.f32 v26, v27;
	v50 =	vadd.f32 $1.428571490e-01, v31  }
0x236: {  	v57 =	vadd.f32 v17, v17;
	v19 =	vadd.f32 $2.000000030e-01, v19;
	v26 =	vmul.f32 v49, v28  }
0x237: {  	v47 =	vmul.f32 v20, v12;
	v20 =	vadd.f32 $2.000000030e-01, v48;
	v30 =	vmul.f32 v50, v29  }
0x238: {  	v7 =	vmul.u32 $0x81, v7;
	v19 =	vmul.f32 v19, v42;
	v52 =	vadd.f32 $2.000000030e-01, v26  }
0x239: {  	v12 =	vadd.f32 $1.000000000e+00, v47;
	v51 =	vmul.f32 v20, v27;
	v53 =	vadd.f32 $2.000000030e-01, v30  }
0x23a: {  	v6 =	vmax.f32 v6, $0.0e+00;
	v19 =	vadd.f32 $3.333333430e-01, v19;
	v55 =	vmul.f32 v52, v28  }
0x23b: {  	v12 =	vmul.f32 v12, v15;
	v54 =	vadd.f32 $3.333333430e-01, v51;
	v56 =	vmul.f32 v53, v29  }
0x23c: {  	v5 =	vadd.s32 v4, v5;
	v19 =	vmul.f32 v19, v42;
	v15 =	vadd.f32 $3.333333430e-01, v55  }
0x23d: {  	v12 =	vadd.f32 v12, v13;
	v13 =	vmul.f32 v54, v27;
	v20 =	vadd.f32 $3.333333430e-01, v56  }
0x23e: {  	v60 =	vadd.s32 v4, v7;
	v19 =	vadd.f32 $1.000000000e+00, v19;
	v15 =	vmul.f32 v15, v28  }
0x23f: {  	v3 =	vadd.f32 v3, v3;
	v13 =	vadd.f32 $1.000000000e+00, v13;
	v20 =	vmul.f32 v20, v29  }
0x240: {  	v17 =	vmul.f32 v19, v57;
	v59 =	vadd.f32 v23, v23;
	v15 =	vadd.f32 $1.000000000e+00, v15  }
0x241: {  	p1 =	sgt.u32 s14, $0x77;
	v58 =	vadd.f32 v25, v25;
	v3 =	vmul.f32 v13, v3;
	v61 =	vadd.f32 $1.000000000e+00, v20  }
0x242: {  	p2 =	sne.s32 @!p1 s20, $0x3;
	[tilespmem:v18+s10+$0x0] =	vst.idx.msk $0xffff, v21;
	v6 =	vadd.f32 v17, v6;
	v62 =	vmul.f32 v15, v59  }
0x243: {  	v8 =	vmax.f32 v8, $0.0e+00;
	p1 =	por p1, p2;
	[tilespmem:v10+s10+$0x0] =	vst.idx.msk $0xffff, v12;
	v3 =	vadd.f32 v3, v11;
	v7 =	vmul.f32 v61, v58  }
.Ltmp36:
0x244: {  	[tilespmem:v5+s10+$0x0] =	vst.idx.msk $0xffff, v6;
	v63 =	vadd.f32 v62, v8;
	(pc) =	sbr.rel @p1 .LBB2_64-.Ltmp36, $4  }
0x245: {  	s0 =	sadd.s32 s3, s14;
	[tilespmem:v9+s10+$0x0] =	vst.idx.msk $0xffff, v3;
	v3 =	vadd.f32 v7, v14  }
0x246: {  	s0 =	sshll.u32 s0, $0xB;
	[tilespmem:v60+s10+$0x0] =	vst.idx.msk $0xffff, v63  }
0x247: {  	s0 =	sadd.s32 s2, s0;
	[tilespmem:v16+s10+$0x0] =	vst.idx.msk $0xffff, v3  }
0x248: {  	[hbm4b:s0+s4] =	stream.linear.scatter [tilespmem:s22], [sflag:$0x2], $0x4000, $0x38;
	[tilespmem:$0x18400] =	vst v63  }
0x249: {  	[tilespmem:s16], [sflag:$0x1] =	stream.linear.gather [hbm4b:s17+s4], $0x200, $0x38;
	[tilespmem:$0x18400] =	vst v63  }
0x24a: {  	s0 =	sadd.s32 $0x400, s16  }
0x24b: {  	[tilespmem:s0], [sflag:$0x1] =	stream.linear.gather [hbm4b:s21+s4], $0x200, $0x38;
	[tilespmem:$0x18400] =	vst v63  }
0x24c: {  	s31 =	sadd.s32 $0x800, s16  }
0x24d: {  	[tilespmem:s31], [sflag:$0x1] =	stream.linear.gather [hbm4b:s19+s4], $0x200, $0x38;
	[tilespmem:$0x18400] =	vst v63  }
0x24e: {  	s1 =	sadd.s32 $0x280, s21;
	s6 =	sadd.s32 $0xC00, s16;
	s11 =	sadd.s32 $0x280, s15  }
0x24f: {  	[tilespmem:s6], [sflag:$0x1] =	stream.linear.gather [hbm4b:s18+s4], $0x200, $0x38;
	[tilespmem:$0x18400] =	vst v63  }
0x250: {  	s17 =	sadd.s32 $0x280, s17;
	s0 =	simm.s32 $0x0;
	s6 =	sadd.s32 $0x280, s19  }
0x251: {  	s18 =	sadd.s32 $0x280, s18;
	s19 =	sadd.s32 $0x1000, s16;
	s16 =	sadd.s32 $0x1400, s16  }
.LBB2_62:
0x252: {  	[tilespmem:s19], [sflag:$0x1] =	stream.linear.gather [hbm4b:s15+s4], $0x200, $0x38;
	[tilespmem:$0x18400] =	vst v63  }
0x253: {  	s7 =	smov.u32 s1;
	s8 =	smov.u32 s6;
	s15 =	smov.u32 s11  }
0x254: {  	s0 =	sadd.s32 $0x5, s0;
	s12 =	smov.u32 s18  }
0x255: {  	[tilespmem:s16], [sflag:$0x1] =	stream.linear.gather [hbm4b:s17+s4], $0x200, $0x38;
	[tilespmem:$0x18400] =	vst v63  }
0x256: {  	s19 =	sadd.s32 $0x400, s16;
	s1 =	sadd.s32 $0x280, s1;
	p1 =	slt.u32 s0, $0x3C  }
0x257: {  	[tilespmem:s19], [sflag:$0x1] =	stream.linear.gather [hbm4b:s7+s4], $0x200, $0x38;
	[tilespmem:$0x18400] =	vst v63  }
.Ltmp37:
0x258: {  	s6 =	sadd.s32 $0x280, s6;
	s7 =	sadd.s32 $0x800, s16;
	(pc) =	sbr.rel @p1 .LBB2_62-.Ltmp37, $4  }
0x259: {  	[tilespmem:s7], [sflag:$0x1] =	stream.linear.gather [hbm4b:s8+s4], $0x200, $0x38;
	[tilespmem:$0x18400] =	vst v63  }
0x25a: {  	s11 =	sadd.s32 $0x280, s11;
	s18 =	sadd.s32 $0x280, s18;
	s7 =	sadd.s32 $0xC00, s16  }
0x25b: {  	[tilespmem:s7], [sflag:$0x1] =	stream.linear.gather [hbm4b:s12+s4], $0x200, $0x38;
	[tilespmem:$0x18400] =	vst v63  }
0x25c: {  	s17 =	sadd.s32 $0x280, s17;
	s19 =	sadd.s32 $0x1000, s16;
	s16 =	sadd.s32 $0x1400, s16  }
.Ltmp38:
0x25d: {  	(pc) =	sbr.rel .LBB2_64-.Ltmp38, $2  }
0x25e: {  	_ =	sdelay $0x2  }
0x25f: {  	[tilespmem:s19], [sflag:$0x1] =	stream.linear.gather [hbm4b:s15+s4], $0x200, $0x38;
	[tilespmem:$0x18400] =	vst v63  }
.LBB2_11:
.Ltmp39:
0x260: {  	(pc) =	sbr.rel .LBB2_17-.Ltmp39, $2  }
0x261: {  	_ =	sdelay $0x2  }
0x262: {  	s0 =	smov.u32 s31;
	p3 =	por $0x0, $0x0  }
.LBB2_18:
.Ltmp40:
0x263: {  	(pc) =	sbr.rel .LBB2_24-.Ltmp40, $2  }
0x264: {  	_ =	sdelay $0x2  }
0x265: {  	s0 =	smov.u32 s30;
	p2 =	por $0x0, $0x0  }
.LBB2_25:
.Ltmp41:
0x266: {  	(pc) =	sbr.rel .LBB2_31-.Ltmp41, $2  }
0x267: {  	_ =	sdelay $0x2  }
0x268: {  	s0 =	smov.u32 s29;
	p3 =	por $0x0, $0x0  }
.LBB2_32:
.Ltmp42:
0x269: {  	(pc) =	sbr.rel .LBB2_38-.Ltmp42, $2  }
0x26a: {  	_ =	sdelay $0x2  }
0x26b: {  	s0 =	smov.u32 s28;
	p2 =	por $0x0, $0x0  }
.LBB2_39:
.Ltmp43:
0x26c: {  	(pc) =	sbr.rel .LBB2_45-.Ltmp43, $2  }
0x26d: {  	_ =	sdelay $0x2  }
0x26e: {  	s0 =	smov.u32 s26;
	p3 =	por $0x0, $0x0  }
.LBB2_46:
.Ltmp44:
0x26f: {  	(pc) =	sbr.rel .LBB2_52-.Ltmp44, $2  }
0x270: {  	_ =	sdelay $0x2  }
0x271: {  	s28 =	smov.u32 s25;
	p2 =	por $0x0, $0x0  }
.LBB2_53:
.Ltmp45:
0x272: {  	(pc) =	sbr.rel .LBB2_58-.Ltmp45, $2  }
0x273: {  	_ =	sdelay $0x2  }
0x274: {  	_ = 	snop  }
.LBB2_13:
.Ltmp46:
0x275: {  	(pc) =	sbr.rel .LBB2_17-.Ltmp46, $2  }
0x276: {  	_ =	sdelay $0x2  }
0x277: {  	s0 =	smov.u32 s31;
	p3 =	por $0x0, $0x0  }
.LBB2_20:
.Ltmp47:
0x278: {  	(pc) =	sbr.rel .LBB2_24-.Ltmp47, $2  }
0x279: {  	_ =	sdelay $0x2  }
0x27a: {  	s0 =	smov.u32 s30  }
.LBB2_27:
.Ltmp48:
0x27b: {  	(pc) =	sbr.rel .LBB2_31-.Ltmp48, $2  }
0x27c: {  	_ =	sdelay $0x2  }
0x27d: {  	s0 =	smov.u32 s29;
	p3 =	por $0x0, $0x0  }
.LBB2_34:
.Ltmp49:
0x27e: {  	(pc) =	sbr.rel .LBB2_38-.Ltmp49, $2  }
0x27f: {  	_ =	sdelay $0x2  }
0x280: {  	s0 =	smov.u32 s28  }
.LBB2_41:
.Ltmp50:
0x281: {  	(pc) =	sbr.rel .LBB2_45-.Ltmp50, $2  }
0x282: {  	_ =	sdelay $0x2  }
0x283: {  	s0 =	smov.u32 s26;
	p3 =	por $0x0, $0x0  }
.LBB2_48:
.Ltmp51:
0x284: {  	(pc) =	sbr.rel .LBB2_52-.Ltmp51, $2  }
0x285: {  	_ =	sdelay $0x2  }
0x286: {  	s28 =	smov.u32 s25  }
.LBB2_55:
.Ltmp52:
0x287: {  	(pc) =	sbr.rel .LBB2_58-.Ltmp52, $2  }
0x288: {  	_ =	sdelay $0x2  }
0x289: {  	v21 =	vmovc v4;
	v4 =	vmov v9;
	v14 =	vmov v7;
	v11 =	vmov v6  }
.LBB2_15:
.Ltmp53:
0x28a: {  	(pc) =	sbr.rel .LBB2_17-.Ltmp53, $2  }
0x28b: {  	_ =	sdelay $0x2  }
0x28c: {  	s0 =	smov.u32 s31  }
.LBB2_22:
.Ltmp54:
0x28d: {  	(pc) =	sbr.rel .LBB2_24-.Ltmp54, $2  }
0x28e: {  	_ =	sdelay $0x2  }
0x28f: {  	s0 =	smov.u32 s30  }
.LBB2_29:
.Ltmp55:
0x290: {  	(pc) =	sbr.rel .LBB2_31-.Ltmp55, $2  }
0x291: {  	_ =	sdelay $0x2  }
0x292: {  	s0 =	smov.u32 s29  }
.LBB2_36:
.Ltmp56:
0x293: {  	(pc) =	sbr.rel .LBB2_38-.Ltmp56, $2  }
0x294: {  	_ =	sdelay $0x2  }
0x295: {  	s0 =	smov.u32 s28  }
.LBB2_43:
.Ltmp57:
0x296: {  	(pc) =	sbr.rel .LBB2_45-.Ltmp57, $2  }
0x297: {  	_ =	sdelay $0x2  }
0x298: {  	s0 =	smov.u32 s26  }
.LBB2_50:
.Ltmp58:
0x299: {  	(pc) =	sbr.rel .LBB2_52-.Ltmp58, $2  }
0x29a: {  	_ =	sdelay $0x2  }
0x29b: {  	s28 =	smov.u32 s25  }
.LBB2_66:
0x29c: {  	_ =	sfence.sel $0x180000  }
0x29d: {  	[bflag:$0x0] =	sbarrier.arrive $0xFFFF  }
0x29e: {  	_ =	strace $0x90000047  }
0x29f: {  	s0 =	stileid.u32;
	[bflag:$0x2] =	sbarrier.arrive $0xFFFF  }
0x2a0: {  	p0 =	sne.s32 s0, $0x0;
	s0 =	rddreg [dreg:$0x2]  }
0x2a1: {  	s0 =	sadd.s32 @!p0 $0x100000, s0  }
0x2a2: {  	[sflag:s0] =	ssyncadd.tile.s32 @!p0 $0x1;
	_ =	shalt  }
.Lfunc_end2:
_tile_overlayer_lowered:
.L_overlay_start_2:
0x2a3: {  	(tag) =	ssettag $0x2  }
0x2a4: {  	s0 =	rddreg [dreg:$0x0];
	s2 =	stileid.u32  }
0x2a5: {  	s1 =	rddreg [dreg:$0x1];
	p0 =	sne.s32 s2, $0x0  }
0x2a6: {  	s3 =	rddreg [dreg:$0x2];
	[bflag:$0x3] =	sbarrier.arrive $0xFFFF;
	s2 =	simm.s32 @!p0 $0x1C03  }
0x2a7: {  	[timem:s3], [sflag:s2] =	dma.local @!p0 [hbm:s0], s1  }
0x2a8: {  	s0 =	simm.s32 @!p0 $0x3  }
0x2a9: {  	_ =	swait.ge @!p0 [sflag:s0], s1  }
0x2aa: {  	s1 =	ssub.s32 @!p0 $0x0, s1;
	[sflag:s0] =	ssyncset.done @!p0 $0x0  }
0x2ab: {  	[sflag:s0] =	ssyncadd.s32 @!p0 s1  }
0x2ac: {  	[bflag:$0x3] =	sbarrier.arrive $0xFFFF  }
0x2ad: {  	_ =	shalt  }

</sc_bundles>
